<compile_context>
chip_gen: v7x
topology: tpu7x:2x2x1
jax: 0.10.2.dev20260603
libtpu: 0.0.44.dev20260713+nightly
codegen_flags: <defaults>
</compile_context>

<pallas_src>
import functools

import jax
import jax.numpy as jnp
from jax import lax
from jax.experimental import pallas as pl
from jax.experimental.pallas import tpu as pltpu
from jax.experimental.pallas import tpu_sc as plsc

N_NODES = 10000
N_EDGES = 320000
D_IN = 128

NUM_CORES = 2
NUM_SUBCORES = 16
NUM_WORKERS = NUM_CORES * NUM_SUBCORES
CHUNK = 112
EDGES_PER_WORKER = N_EDGES // NUM_WORKERS
N_CHUNKS = EDGES_PER_WORKER // CHUNK
TAIL = EDGES_PER_WORKER - N_CHUNKS * CHUNK
N_PAD = 10240
SEG = N_PAD // NUM_SUBCORES


def _sc_segment_sum(edge_index, x, zeros):

  mesh = plsc.VectorSubcoreMesh(
      core_axis_name="c", subcore_axis_name="s",
      num_cores=NUM_CORES, num_subcores=NUM_SUBCORES)

  @functools.partial(
      pl.kernel,
      out_type=jax.ShapeDtypeStruct((NUM_CORES, N_PAD, D_IN), jnp.float32),
      mesh=mesh,
      scratch_types=[
          pltpu.VMEM((EDGES_PER_WORKER,), jnp.int32),
          pltpu.VMEM((EDGES_PER_WORKER,), jnp.int32),
          pltpu.VMEM((CHUNK, D_IN), jnp.float32),
          pltpu.VMEM((CHUNK, D_IN), jnp.float32),
          pltpu.VMEM_SHARED((N_PAD, D_IN), jnp.float32),
          pltpu.SemaphoreType.DMA,
          pltpu.SemaphoreType.DMA,
      ],
  )
  def sc_kernel(e_hbm, x_hbm, z_hbm, out_hbm,
                src_v, dst_v, rows_a, rows_b, accum, sem_a, sem_b):
    c = lax.axis_index("c")
    s = lax.axis_index("s")
    edge_base = (c * NUM_SUBCORES + s) * EDGES_PER_WORKER

    pltpu.sync_copy(z_hbm, accum.at[pl.ds(s * SEG, SEG)])

    pltpu.sync_copy(e_hbm.at[pl.ds(edge_base, EDGES_PER_WORKER)], src_v)
    pltpu.sync_copy(e_hbm.at[pl.ds(N_EDGES + edge_base, EDGES_PER_WORKER)],
                    dst_v)

    plsc.subcore_barrier()

    def gather_start(off, n, rows_ref, sem):
      pltpu.async_copy(x_hbm.at[src_v.at[pl.ds(off, n)]], rows_ref, sem)

    def gather_wait(off, n, rows_ref, sem):
      pltpu.make_async_copy(x_hbm.at[src_v.at[pl.ds(off, n)]],
                            rows_ref, sem).wait()

    def scatter_add(off, n, rows_ref):
      pltpu.sync_copy(rows_ref, accum.at[dst_v.at[pl.ds(off, n)]], add=True)

    gather_start(0, CHUNK, rows_a, sem_a)

    def body(i, carry):
      gather_start((2 * i + 1) * CHUNK, CHUNK, rows_b, sem_b)
      gather_wait(2 * i * CHUNK, CHUNK, rows_a, sem_a)
      scatter_add(2 * i * CHUNK, CHUNK, rows_a)
      gather_start((2 * i + 2) * CHUNK, CHUNK, rows_a, sem_a)
      gather_wait((2 * i + 1) * CHUNK, CHUNK, rows_b, sem_b)
      scatter_add((2 * i + 1) * CHUNK, CHUNK, rows_b)
      return carry

    lax.fori_loop(0, N_CHUNKS // 2, body, 0)

    gather_start(N_CHUNKS * CHUNK, TAIL, rows_b.at[pl.ds(0, TAIL)], sem_b)
    gather_wait((N_CHUNKS - 1) * CHUNK, CHUNK, rows_a, sem_a)
    scatter_add((N_CHUNKS - 1) * CHUNK, CHUNK, rows_a)
    gather_wait(N_CHUNKS * CHUNK, TAIL, rows_b.at[pl.ds(0, TAIL)], sem_b)
    scatter_add(N_CHUNKS * CHUNK, TAIL, rows_b.at[pl.ds(0, TAIL)])

    plsc.subcore_barrier()

    pltpu.sync_copy(accum.at[pl.ds(s * SEG, SEG)],
                    out_hbm.at[c, pl.ds(s * SEG, SEG)])

  return sc_kernel(edge_index, x, zeros)


BLK = 1000
NBLK = N_NODES // BLK
_DIMS = (((1,), (1,)), ((), ()))


def _mlp_body(p_ref, x_ref, eps_ref, w1_ref, b1_ref, g1_ref, be1_ref,
              w2_ref, b2_ref, g2_ref, be2_ref, o_ref,
              pa0, pa1, xa, pb0, pb1, xb, h_scr, h2_scr, sem_a, sem_b):
  eps = eps_ref[0, 0]
  bufs = [(pa0, pa1, xa, sem_a), (pb0, pb1, xb, sem_b)]

  def srcs(kb):
    r = pl.ds(kb * BLK, BLK)
    return (p_ref.at[0, r, :], p_ref.at[1, r, :], x_ref.at[r, :])

  def start(kb, b):
    for s, d in zip(srcs(kb), b[:3]):
      pltpu.async_copy(s, d, b[3])

  def wait(kb, b):
    for s, d in zip(srcs(kb), b[:3]):
      pltpu.make_async_copy(s, d, b[3]).wait()

  start(0, bufs[0])
  s1 = jnp.zeros((1, 256), jnp.float32)
  s2 = jnp.zeros((1, 256), jnp.float32)
  for kb in range(NBLK):
    b = bufs[kb % 2]
    if kb + 1 < NBLK:
      start(kb + 1, bufs[(kb + 1) % 2])
    wait(kb, b)
    vb = b[0][...] + b[1][...] + eps * b[2][...]
    hb = lax.dot_general(vb, w1_ref[...], _DIMS,
                         preferred_element_type=jnp.float32) + b1_ref[...]
    h_scr[pl.ds(kb * BLK, BLK), :] = hb
    s1 = s1 + jnp.sum(hb, axis=0, keepdims=True)
    s2 = s2 + jnp.sum(hb * hb, axis=0, keepdims=True)

  mean1 = s1 * (1.0 / N_NODES)
  var1 = s2 * (1.0 / N_NODES) - mean1 * mean1
  scale1 = lax.rsqrt(var1 + 1e-5) * g1_ref[...]

  t1 = jnp.zeros((1, 128), jnp.float32)
  t2 = jnp.zeros((1, 128), jnp.float32)
  for kb in range(NBLK):
    r = pl.ds(kb * BLK, BLK)
    hn = jnp.maximum((h_scr[r, :] - mean1) * scale1 + be1_ref[...], 0.0)
    h2 = lax.dot_general(hn, w2_ref[...], _DIMS,
                         preferred_element_type=jnp.float32) + b2_ref[...]
    h2_scr[r, :] = h2
    t1 = t1 + jnp.sum(h2, axis=0, keepdims=True)
    t2 = t2 + jnp.sum(h2 * h2, axis=0, keepdims=True)

  mean2 = t1 * (1.0 / N_NODES)
  var2 = t2 * (1.0 / N_NODES) - mean2 * mean2
  scale2 = lax.rsqrt(var2 + 1e-5) * g2_ref[...]

  o_ref[...] = jnp.maximum(
      (h2_scr[...] - mean2) * scale2 + be2_ref[...], 0.0)


def _tc_mlp(partials, x, eps, w1, b1, g1, be1, w2, b2, g2, be2):
  hbm = pl.BlockSpec(memory_space=pltpu.MemorySpace.HBM)
  vmem = pl.BlockSpec(memory_space=pltpu.MemorySpace.VMEM)
  return pl.pallas_call(
      _mlp_body,
      in_specs=[hbm, hbm] + [vmem] * 9,
      out_shape=jax.ShapeDtypeStruct((N_NODES, w2.shape[0]), jnp.float32),
      scratch_shapes=(
          [pltpu.VMEM((BLK, D_IN), jnp.float32)] * 3 * 2
          + [pltpu.VMEM((N_NODES, 256), jnp.float32),
             pltpu.VMEM((N_NODES, 128), jnp.float32),
             pltpu.SemaphoreType.DMA, pltpu.SemaphoreType.DMA]),
  )(partials, x, eps, w1, b1, g1, be1, w2, b2, g2, be2)


@jax.jit
def kernel(x, edge_index, eps, W1, b1, g1, be1, W2, b2, g2, be2):
  zeros = jnp.zeros((SEG, D_IN), jnp.float32)
  partials = _sc_segment_sum(edge_index.reshape(-1), x, zeros)
  return _tc_mlp(partials, x, eps, W1, b1, g1, be1, W2, b2, g2, be2)

# --- scband reference (transcript-rebuilt; emitter-appended) ---
"""Pipeline reference for scband-brain-connectomic-graph-52226802319568 (READ-ONLY COPY).

The authoritative reference and input builder live on the scoring server;
editing this copy changes nothing except your own understanding.
"""

import jax, jax.numpy as jnp
import numpy as np

N_NODES = 10000
N_EDGES = 320000
D_IN = 128
D_HID = 256
D_OUT = 128


def setup_inputs(seed: int = 0) -> dict:
    key = jax.random.key(seed)
    ks = jax.random.split(key, 12)
    x = jax.random.normal(ks[0], (N_NODES, D_IN), dtype=jnp.float32)
    edge_index = jax.random.randint(ks[1], (2, N_EDGES), 0, N_NODES, dtype=jnp.int64 if jax.config.jax_enable_x64 else jnp.int32).astype(jnp.int32)
    eps = jnp.zeros((1, 1), dtype=jnp.float32)
    W1 = jax.random.normal(ks[2], (D_HID, D_IN), dtype=jnp.float32) * (1.0 / np.sqrt(D_IN))
    b1 = jnp.zeros((D_HID,), dtype=jnp.float32)
    g1 = jnp.ones((D_HID,), dtype=jnp.float32)
    be1 = jnp.zeros((D_HID,), dtype=jnp.float32)
    W2 = jax.random.normal(ks[3], (D_OUT, D_HID), dtype=jnp.float32) * (1.0 / np.sqrt(D_HID))
    b2 = jnp.zeros((D_OUT,), dtype=jnp.float32)
    g2 = jnp.ones((D_OUT,), dtype=jnp.float32)
    be2 = jnp.zeros((D_OUT,), dtype=jnp.float32)
    return {"x": x, "edge_index": edge_index, "eps": eps, "W1": W1, "b1": b1, "g1": g1, "be1": be1, "W2": W2, "b2": b2, "g2": g2, "be2": be2}


def _batchnorm(h, gamma, beta):
    mean = jnp.mean(h, axis=0)
    var = jnp.var(h, axis=0)
    return (h - mean) / jnp.sqrt(var + 1e-5) * gamma + beta


def reference(x, edge_index, eps, W1, b1, g1, be1, W2, b2, g2, be2):
    # LayerGIN.forward: v_aggregate = torch.sparse.mm(a, v); a is the (unweighted)
    # adjacency in COO form given by edge_index, so sparse mm == scatter-add of
    # source-node features into destination rows.
    src = edge_index[0]
    dst = edge_index[1]
    gathered = jnp.take(x, src, axis=0)                       # gather (SparseCore)
    v_aggregate = jax.ops.segment_sum(gathered, dst, num_segments=x.shape[0])  # scatter-add
    v_aggregate = v_aggregate + eps * x
    # MLP: Linear -> BatchNorm1d -> ReLU -> Linear -> BatchNorm1d -> ReLU
    h = v_aggregate @ W1.T + b1
    h = _batchnorm(h, g1, be1)
    h = jax.nn.relu(h)
    h = h @ W2.T + b2
    h = _batchnorm(h, g2, be2)
    h = jax.nn.relu(h)
    return h


if False:  # reference __main__ guard neutralized (emitter)
    out = reference(**setup_inputs())
    print(out.shape)

if __name__ == "__main__":
    import jax
    _d = setup_inputs()
    print(jax.jit(kernel)(*tuple(_d.values())))

</pallas_src>

<mosaic_0001>
#map = affine_map<(d0, d1) -> (0)>
#map1 = affine_map<(d0, d1) -> (0, 0)>
#map2 = affine_map<(d0, d1) -> (0, 0, 0)>
module attributes {stable_mosaic.version = 14 : i64} {
  func.func @sc_kernel(%arg0: i32, %arg1: i32, %arg2: memref<640000xi32, #tpu.memory_space<hbm>>, %arg3: memref<10000x128xf32, #tpu.memory_space<hbm>>, %arg4: memref<640x128xf32, #tpu.memory_space<hbm>>, %arg5: memref<2x10240x128xf32, #tpu.memory_space<hbm>>, %arg6: memref<10000xi32, #tpu.memory_space<vmem>>, %arg7: memref<10000xi32, #tpu.memory_space<vmem>>, %arg8: memref<112x128xf32, #tpu.memory_space<vmem>>, %arg9: memref<112x128xf32, #tpu.memory_space<vmem>>, %arg10: memref<10240x128xf32, #tpu.memory_space<vmem_shared>>, %arg11: memref<!tpu.dma_semaphore, #tpu.memory_space<semaphore_mem>>, %arg12: memref<!tpu.dma_semaphore, #tpu.memory_space<semaphore_mem>>) attributes {dimension_semantics = [#tpu.dimension_semantics<core_parallel>, #tpu.dimension_semantics<subcore_parallel>], iteration_bounds = array<i64: 2, 16>, scalar_prefetch = 0 : i64, scratch_operands = 7 : i64, tpu.core_type = #tpu.core_type<sc_vector_subcore>, window_params = [{transform_indices = #map}, {transform_indices = #map1}, {transform_indices = #map1}, {transform_indices = #map2}]} {
    %mul3A = arith.constant 16 : i32
    %mul3A_0 = arith.muli %arg0, %mul3A : i32
    %add3A = arith.addi %mul3A_0, %arg1 : i32
    %mul3A_1 = arith.constant 10000 : i32
    %mul3A_2 = arith.muli %add3A, %mul3A_1 : i32
    %mul3A_3 = arith.constant 640 : i32
    %mul3A_4 = arith.muli %arg1, %mul3A_3 : i32
    "tpu.region"() ({
      %run_scoped3A = tpu.sem_alloc : memref<!tpu.dma_semaphore, #tpu.memory_space<semaphore_mem>>
      %dma_start3A_41 = arith.constant 0 : i32
      %dma_start3A_42 = tpu.memref_slice %arg10[%mul3A_4, %dma_start3A_41] : memref<10240x128xf32, #tpu.memory_space<vmem_shared>> -> memref<640x128xf32, #tpu.memory_space<vmem_shared>>
      tpu.enqueue_dma source(%arg4 : memref<640x128xf32, #tpu.memory_space<hbm>>) target(%dma_start3A_42 : memref<640x128xf32, #tpu.memory_space<vmem_shared>>) target_semaphore(%run_scoped3A : memref<!tpu.dma_semaphore, #tpu.memory_space<semaphore_mem>>)
      %dma_wait3A_43 = arith.constant 0 : i32
      %dma_wait3A_44 = tpu.memref_slice %arg10[%mul3A_4, %dma_wait3A_43] : memref<10240x128xf32, #tpu.memory_space<vmem_shared>> -> memref<640x128xf32, #tpu.memory_space<vmem_shared>>
      tpu.wait_dma2 semaphore(%run_scoped3A : memref<!tpu.dma_semaphore, #tpu.memory_space<semaphore_mem>>) src(%arg4 : memref<640x128xf32, #tpu.memory_space<hbm>>) dst(%dma_wait3A_44 : memref<640x128xf32, #tpu.memory_space<vmem_shared>>)
      tpu.yield
    }) : () -> ()
    "tpu.region"() ({
      %run_scoped3A = tpu.sem_alloc : memref<!tpu.dma_semaphore, #tpu.memory_space<semaphore_mem>>
      %dma_start3A_41 = tpu.memref_slice %arg2[%mul3A_2] : memref<640000xi32, #tpu.memory_space<hbm>> -> memref<10000xi32, #tpu.memory_space<hbm>>
      %dma_start3A_42 = tpu.memref_slice %arg2[%mul3A_2] : memref<640000xi32, #tpu.memory_space<hbm>> -> memref<10000xi32, #tpu.memory_space<hbm>>
      tpu.enqueue_dma source(%dma_start3A_42 : memref<10000xi32, #tpu.memory_space<hbm>>) target(%arg6 : memref<10000xi32, #tpu.memory_space<vmem>>) target_semaphore(%run_scoped3A : memref<!tpu.dma_semaphore, #tpu.memory_space<semaphore_mem>>)
      %dma_wait3A_43 = tpu.memref_slice %arg2[%mul3A_2] : memref<640000xi32, #tpu.memory_space<hbm>> -> memref<10000xi32, #tpu.memory_space<hbm>>
      %dma_wait3A_44 = tpu.memref_slice %arg2[%mul3A_2] : memref<640000xi32, #tpu.memory_space<hbm>> -> memref<10000xi32, #tpu.memory_space<hbm>>
      tpu.wait_dma2 semaphore(%run_scoped3A : memref<!tpu.dma_semaphore, #tpu.memory_space<semaphore_mem>>) src(%dma_wait3A_44 : memref<10000xi32, #tpu.memory_space<hbm>>) dst(%arg6 : memref<10000xi32, #tpu.memory_space<vmem>>)
      tpu.yield
    }) : () -> ()
    %add3A_5 = arith.constant 320000 : i32
    %add3A_6 = arith.addi %add3A_5, %mul3A_2 : i32
    "tpu.region"() ({
      %run_scoped3A = tpu.sem_alloc : memref<!tpu.dma_semaphore, #tpu.memory_space<semaphore_mem>>
      %dma_start3A_41 = tpu.memref_slice %arg2[%add3A_6] : memref<640000xi32, #tpu.memory_space<hbm>> -> memref<10000xi32, #tpu.memory_space<hbm>>
      %dma_start3A_42 = tpu.memref_slice %arg2[%add3A_6] : memref<640000xi32, #tpu.memory_space<hbm>> -> memref<10000xi32, #tpu.memory_space<hbm>>
      tpu.enqueue_dma source(%dma_start3A_42 : memref<10000xi32, #tpu.memory_space<hbm>>) target(%arg7 : memref<10000xi32, #tpu.memory_space<vmem>>) target_semaphore(%run_scoped3A : memref<!tpu.dma_semaphore, #tpu.memory_space<semaphore_mem>>)
      %dma_wait3A_43 = tpu.memref_slice %arg2[%add3A_6] : memref<640000xi32, #tpu.memory_space<hbm>> -> memref<10000xi32, #tpu.memory_space<hbm>>
      %dma_wait3A_44 = tpu.memref_slice %arg2[%add3A_6] : memref<640000xi32, #tpu.memory_space<hbm>> -> memref<10000xi32, #tpu.memory_space<hbm>>
      tpu.wait_dma2 semaphore(%run_scoped3A : memref<!tpu.dma_semaphore, #tpu.memory_space<semaphore_mem>>) src(%dma_wait3A_44 : memref<10000xi32, #tpu.memory_space<hbm>>) dst(%arg7 : memref<10000xi32, #tpu.memory_space<vmem>>)
      tpu.yield
    }) : () -> ()
    %barrier3A = arith.constant 0 : index
    tpu.barrier barrier_id(%barrier3A)
    %dma_start3A = arith.constant 0 : i32
    %dma_start3A_7 = tpu.memref_slice %arg6[%dma_start3A] : memref<10000xi32, #tpu.memory_space<vmem>> -> memref<112xi32, #tpu.memory_space<vmem>>
    %dma_start3A_8 = arith.constant 0 : i32
    %dma_start3A_9 = arith.constant 0 : i32
    %dma_start3A_10 = tpu.memref_slice %arg3[%dma_start3A_8, %dma_start3A_9] : memref<10000x128xf32, #tpu.memory_space<hbm>> -> memref<10000x128xf32, #tpu.memory_space<hbm>>
    tpu.enqueue_indirect_dma source(%dma_start3A_10 : memref<10000x128xf32, #tpu.memory_space<hbm>>) target(%arg8 : memref<112x128xf32, #tpu.memory_space<vmem>>) offsets(%dma_start3A_7 : memref<112xi32, #tpu.memory_space<vmem>>) semaphore(%arg11 : memref<!tpu.dma_semaphore, #tpu.memory_space<semaphore_mem>>)
    %scan3A = arith.constant 0 : i32
    %scan3A_11 = arith.constant 0 : i32
    %scan3A_12 = arith.constant 44 : i32
    %scan3A_13 = arith.addi %scan3A_11, %scan3A_12 : i32
    %scan3A_14 = arith.constant 1 : i32
    scf.for %scan3A_41 = %scan3A_11 to %scan3A_13 step %scan3A_14  : i32 {
      %mul3A_42 = arith.constant 2 : i32
      %mul3A_43 = arith.muli %mul3A_42, %scan3A_41 : i32
      %add3A_44 = arith.constant 1 : i32
      %add3A_45 = arith.addi %mul3A_43, %add3A_44 : i32
      %mul3A_46 = arith.constant 112 : i32
      %mul3A_47 = arith.muli %add3A_45, %mul3A_46 : i32
      %dma_start3A_48 = tpu.memref_slice %arg6[%mul3A_47] : memref<10000xi32, #tpu.memory_space<vmem>> -> memref<112xi32, #tpu.memory_space<vmem>>
      %dma_start3A_49 = arith.constant 0 : i32
      %dma_start3A_50 = arith.constant 0 : i32
      %dma_start3A_51 = tpu.memref_slice %arg3[%dma_start3A_49, %dma_start3A_50] : memref<10000x128xf32, #tpu.memory_space<hbm>> -> memref<10000x128xf32, #tpu.memory_space<hbm>>
      tpu.enqueue_indirect_dma source(%dma_start3A_51 : memref<10000x128xf32, #tpu.memory_space<hbm>>) target(%arg9 : memref<112x128xf32, #tpu.memory_space<vmem>>) offsets(%dma_start3A_48 : memref<112xi32, #tpu.memory_space<vmem>>) semaphore(%arg12 : memref<!tpu.dma_semaphore, #tpu.memory_space<semaphore_mem>>)
      %mul3A_52 = arith.constant 2 : i32
      %mul3A_53 = arith.muli %mul3A_52, %scan3A_41 : i32
      %mul3A_54 = arith.constant 112 : i32
      %mul3A_55 = arith.muli %mul3A_53, %mul3A_54 : i32
      %dma_wait3A_56 = tpu.memref_slice %arg6[%mul3A_55] : memref<10000xi32, #tpu.memory_space<vmem>> -> memref<112xi32, #tpu.memory_space<vmem>>
      %dma_wait3A_57 = arith.constant 0 : i32
      %dma_wait3A_58 = arith.constant 0 : i32
      %dma_wait3A_59 = tpu.memref_slice %arg3[%dma_wait3A_57, %dma_wait3A_58] : memref<10000x128xf32, #tpu.memory_space<hbm>> -> memref<10000x128xf32, #tpu.memory_space<hbm>>
      tpu.wait_indirect_dma semaphore(%arg11 : memref<!tpu.dma_semaphore, #tpu.memory_space<semaphore_mem>>) src(%dma_wait3A_59 : memref<10000x128xf32, #tpu.memory_space<hbm>>) dst(%arg8 : memref<112x128xf32, #tpu.memory_space<vmem>>)
      %mul3A_60 = arith.constant 2 : i32
      %mul3A_61 = arith.muli %mul3A_60, %scan3A_41 : i32
      %mul3A_62 = arith.constant 112 : i32
      %mul3A_63 = arith.muli %mul3A_61, %mul3A_62 : i32
      "tpu.region"() ({
        %run_scoped3A = tpu.sem_alloc : memref<!tpu.dma_semaphore, #tpu.memory_space<semaphore_mem>>
        %dma_start3A_90 = tpu.memref_slice %arg7[%mul3A_63] : memref<10000xi32, #tpu.memory_space<vmem>> -> memref<112xi32, #tpu.memory_space<vmem>>
        %dma_start3A_91 = arith.constant 0 : i32
        %dma_start3A_92 = arith.constant 0 : i32
        %dma_start3A_93 = tpu.memref_slice %arg10[%dma_start3A_91, %dma_start3A_92] : memref<10240x128xf32, #tpu.memory_space<vmem_shared>> -> memref<10240x128xf32, #tpu.memory_space<vmem_shared>>
        tpu.enqueue_indirect_dma source(%arg8 : memref<112x128xf32, #tpu.memory_space<vmem>>) target(%dma_start3A_93 : memref<10240x128xf32, #tpu.memory_space<vmem_shared>>) offsets(%dma_start3A_90 : memref<112xi32, #tpu.memory_space<vmem>>) semaphore(%run_scoped3A : memref<!tpu.dma_semaphore, #tpu.memory_space<semaphore_mem>>) {add = true}
        %dma_wait3A_94 = tpu.memref_slice %arg7[%mul3A_63] : memref<10000xi32, #tpu.memory_space<vmem>> -> memref<112xi32, #tpu.memory_space<vmem>>
        %dma_wait3A_95 = arith.constant 0 : i32
        %dma_wait3A_96 = arith.constant 0 : i32
        %dma_wait3A_97 = tpu.memref_slice %arg10[%dma_wait3A_95, %dma_wait3A_96] : memref<10240x128xf32, #tpu.memory_space<vmem_shared>> -> memref<10240x128xf32, #tpu.memory_space<vmem_shared>>
        tpu.wait_indirect_dma semaphore(%run_scoped3A : memref<!tpu.dma_semaphore, #tpu.memory_space<semaphore_mem>>) src(%arg8 : memref<112x128xf32, #tpu.memory_space<vmem>>) dst(%dma_wait3A_97 : memref<10240x128xf32, #tpu.memory_space<vmem_shared>>)
        tpu.yield
      }) : () -> ()
      %mul3A_64 = arith.constant 2 : i32
      %mul3A_65 = arith.muli %mul3A_64, %scan3A_41 : i32
      %add3A_66 = arith.constant 2 : i32
      %add3A_67 = arith.addi %mul3A_65, %add3A_66 : i32
      %mul3A_68 = arith.constant 112 : i32
      %mul3A_69 = arith.muli %add3A_67, %mul3A_68 : i32
      %dma_start3A_70 = tpu.memref_slice %arg6[%mul3A_69] : memref<10000xi32, #tpu.memory_space<vmem>> -> memref<112xi32, #tpu.memory_space<vmem>>
      %dma_start3A_71 = arith.constant 0 : i32
      %dma_start3A_72 = arith.constant 0 : i32
      %dma_start3A_73 = tpu.memref_slice %arg3[%dma_start3A_71, %dma_start3A_72] : memref<10000x128xf32, #tpu.memory_space<hbm>> -> memref<10000x128xf32, #tpu.memory_space<hbm>>
      tpu.enqueue_indirect_dma source(%dma_start3A_73 : memref<10000x128xf32, #tpu.memory_space<hbm>>) target(%arg8 : memref<112x128xf32, #tpu.memory_space<vmem>>) offsets(%dma_start3A_70 : memref<112xi32, #tpu.memory_space<vmem>>) semaphore(%arg11 : memref<!tpu.dma_semaphore, #tpu.memory_space<semaphore_mem>>)
      %mul3A_74 = arith.constant 2 : i32
      %mul3A_75 = arith.muli %mul3A_74, %scan3A_41 : i32
      %add3A_76 = arith.constant 1 : i32
      %add3A_77 = arith.addi %mul3A_75, %add3A_76 : i32
      %mul3A_78 = arith.constant 112 : i32
      %mul3A_79 = arith.muli %add3A_77, %mul3A_78 : i32
      %dma_wait3A_80 = tpu.memref_slice %arg6[%mul3A_79] : memref<10000xi32, #tpu.memory_space<vmem>> -> memref<112xi32, #tpu.memory_space<vmem>>
      %dma_wait3A_81 = arith.constant 0 : i32
      %dma_wait3A_82 = arith.constant 0 : i32
      %dma_wait3A_83 = tpu.memref_slice %arg3[%dma_wait3A_81, %dma_wait3A_82] : memref<10000x128xf32, #tpu.memory_space<hbm>> -> memref<10000x128xf32, #tpu.memory_space<hbm>>
      tpu.wait_indirect_dma semaphore(%arg12 : memref<!tpu.dma_semaphore, #tpu.memory_space<semaphore_mem>>) src(%dma_wait3A_83 : memref<10000x128xf32, #tpu.memory_space<hbm>>) dst(%arg9 : memref<112x128xf32, #tpu.memory_space<vmem>>)
      %mul3A_84 = arith.constant 2 : i32
      %mul3A_85 = arith.muli %mul3A_84, %scan3A_41 : i32
      %add3A_86 = arith.constant 1 : i32
      %add3A_87 = arith.addi %mul3A_85, %add3A_86 : i32
      %mul3A_88 = arith.constant 112 : i32
      %mul3A_89 = arith.muli %add3A_87, %mul3A_88 : i32
      "tpu.region"() ({
        %run_scoped3A = tpu.sem_alloc : memref<!tpu.dma_semaphore, #tpu.memory_space<semaphore_mem>>
        %dma_start3A_90 = tpu.memref_slice %arg7[%mul3A_89] : memref<10000xi32, #tpu.memory_space<vmem>> -> memref<112xi32, #tpu.memory_space<vmem>>
        %dma_start3A_91 = arith.constant 0 : i32
        %dma_start3A_92 = arith.constant 0 : i32
        %dma_start3A_93 = tpu.memref_slice %arg10[%dma_start3A_91, %dma_start3A_92] : memref<10240x128xf32, #tpu.memory_space<vmem_shared>> -> memref<10240x128xf32, #tpu.memory_space<vmem_shared>>
        tpu.enqueue_indirect_dma source(%arg9 : memref<112x128xf32, #tpu.memory_space<vmem>>) target(%dma_start3A_93 : memref<10240x128xf32, #tpu.memory_space<vmem_shared>>) offsets(%dma_start3A_90 : memref<112xi32, #tpu.memory_space<vmem>>) semaphore(%run_scoped3A : memref<!tpu.dma_semaphore, #tpu.memory_space<semaphore_mem>>) {add = true}
        %dma_wait3A_94 = tpu.memref_slice %arg7[%mul3A_89] : memref<10000xi32, #tpu.memory_space<vmem>> -> memref<112xi32, #tpu.memory_space<vmem>>
        %dma_wait3A_95 = arith.constant 0 : i32
        %dma_wait3A_96 = arith.constant 0 : i32
        %dma_wait3A_97 = tpu.memref_slice %arg10[%dma_wait3A_95, %dma_wait3A_96] : memref<10240x128xf32, #tpu.memory_space<vmem_shared>> -> memref<10240x128xf32, #tpu.memory_space<vmem_shared>>
        tpu.wait_indirect_dma semaphore(%run_scoped3A : memref<!tpu.dma_semaphore, #tpu.memory_space<semaphore_mem>>) src(%arg9 : memref<112x128xf32, #tpu.memory_space<vmem>>) dst(%dma_wait3A_97 : memref<10240x128xf32, #tpu.memory_space<vmem_shared>>)
        tpu.yield
      }) : () -> ()
    }
    %scan3A_15 = arith.constant 44 : i32
    %dma_start3A_16 = arith.constant 0 : i32
    %dma_start3A_17 = arith.constant 0 : i32
    %dma_start3A_18 = tpu.memref_slice %arg9[%dma_start3A_16, %dma_start3A_17] : memref<112x128xf32, #tpu.memory_space<vmem>> -> memref<32x128xf32, #tpu.memory_space<vmem>>
    %dma_start3A_19 = arith.constant 9968 : i32
    %dma_start3A_20 = tpu.memref_slice %arg6[%dma_start3A_19] : memref<10000xi32, #tpu.memory_space<vmem>> -> memref<32xi32, #tpu.memory_space<vmem>>
    %dma_start3A_21 = arith.constant 0 : i32
    %dma_start3A_22 = arith.constant 0 : i32
    %dma_start3A_23 = tpu.memref_slice %arg3[%dma_start3A_21, %dma_start3A_22] : memref<10000x128xf32, #tpu.memory_space<hbm>> -> memref<10000x128xf32, #tpu.memory_space<hbm>>
    tpu.enqueue_indirect_dma source(%dma_start3A_23 : memref<10000x128xf32, #tpu.memory_space<hbm>>) target(%dma_start3A_18 : memref<32x128xf32, #tpu.memory_space<vmem>>) offsets(%dma_start3A_20 : memref<32xi32, #tpu.memory_space<vmem>>) semaphore(%arg12 : memref<!tpu.dma_semaphore, #tpu.memory_space<semaphore_mem>>)
    %dma_wait3A = arith.constant 9856 : i32
    %dma_wait3A_24 = tpu.memref_slice %arg6[%dma_wait3A] : memref<10000xi32, #tpu.memory_space<vmem>> -> memref<112xi32, #tpu.memory_space<vmem>>
    %dma_wait3A_25 = arith.constant 0 : i32
    %dma_wait3A_26 = arith.constant 0 : i32
    %dma_wait3A_27 = tpu.memref_slice %arg3[%dma_wait3A_25, %dma_wait3A_26] : memref<10000x128xf32, #tpu.memory_space<hbm>> -> memref<10000x128xf32, #tpu.memory_space<hbm>>
    tpu.wait_indirect_dma semaphore(%arg11 : memref<!tpu.dma_semaphore, #tpu.memory_space<semaphore_mem>>) src(%dma_wait3A_27 : memref<10000x128xf32, #tpu.memory_space<hbm>>) dst(%arg8 : memref<112x128xf32, #tpu.memory_space<vmem>>)
    "tpu.region"() ({
      %run_scoped3A = tpu.sem_alloc : memref<!tpu.dma_semaphore, #tpu.memory_space<semaphore_mem>>
      %dma_start3A_41 = arith.constant 9856 : i32
      %dma_start3A_42 = tpu.memref_slice %arg7[%dma_start3A_41] : memref<10000xi32, #tpu.memory_space<vmem>> -> memref<112xi32, #tpu.memory_space<vmem>>
      %dma_start3A_43 = arith.constant 0 : i32
      %dma_start3A_44 = arith.constant 0 : i32
      %dma_start3A_45 = tpu.memref_slice %arg10[%dma_start3A_43, %dma_start3A_44] : memref<10240x128xf32, #tpu.memory_space<vmem_shared>> -> memref<10240x128xf32, #tpu.memory_space<vmem_shared>>
      tpu.enqueue_indirect_dma source(%arg8 : memref<112x128xf32, #tpu.memory_space<vmem>>) target(%dma_start3A_45 : memref<10240x128xf32, #tpu.memory_space<vmem_shared>>) offsets(%dma_start3A_42 : memref<112xi32, #tpu.memory_space<vmem>>) semaphore(%run_scoped3A : memref<!tpu.dma_semaphore, #tpu.memory_space<semaphore_mem>>) {add = true}
      %dma_wait3A_46 = arith.constant 9856 : i32
      %dma_wait3A_47 = tpu.memref_slice %arg7[%dma_wait3A_46] : memref<10000xi32, #tpu.memory_space<vmem>> -> memref<112xi32, #tpu.memory_space<vmem>>
      %dma_wait3A_48 = arith.constant 0 : i32
      %dma_wait3A_49 = arith.constant 0 : i32
      %dma_wait3A_50 = tpu.memref_slice %arg10[%dma_wait3A_48, %dma_wait3A_49] : memref<10240x128xf32, #tpu.memory_space<vmem_shared>> -> memref<10240x128xf32, #tpu.memory_space<vmem_shared>>
      tpu.wait_indirect_dma semaphore(%run_scoped3A : memref<!tpu.dma_semaphore, #tpu.memory_space<semaphore_mem>>) src(%arg8 : memref<112x128xf32, #tpu.memory_space<vmem>>) dst(%dma_wait3A_50 : memref<10240x128xf32, #tpu.memory_space<vmem_shared>>)
      tpu.yield
    }) : () -> ()
    %dma_wait3A_28 = arith.constant 0 : i32
    %dma_wait3A_29 = arith.constant 0 : i32
    %dma_wait3A_30 = tpu.memref_slice %arg9[%dma_wait3A_28, %dma_wait3A_29] : memref<112x128xf32, #tpu.memory_space<vmem>> -> memref<32x128xf32, #tpu.memory_space<vmem>>
    %dma_wait3A_31 = arith.constant 9968 : i32
    %dma_wait3A_32 = tpu.memref_slice %arg6[%dma_wait3A_31] : memref<10000xi32, #tpu.memory_space<vmem>> -> memref<32xi32, #tpu.memory_space<vmem>>
    %dma_wait3A_33 = arith.constant 0 : i32
    %dma_wait3A_34 = arith.constant 0 : i32
    %dma_wait3A_35 = tpu.memref_slice %arg3[%dma_wait3A_33, %dma_wait3A_34] : memref<10000x128xf32, #tpu.memory_space<hbm>> -> memref<10000x128xf32, #tpu.memory_space<hbm>>
    tpu.wait_indirect_dma semaphore(%arg12 : memref<!tpu.dma_semaphore, #tpu.memory_space<semaphore_mem>>) src(%dma_wait3A_35 : memref<10000x128xf32, #tpu.memory_space<hbm>>) dst(%dma_wait3A_30 : memref<32x128xf32, #tpu.memory_space<vmem>>)
    "tpu.region"() ({
      %run_scoped3A = tpu.sem_alloc : memref<!tpu.dma_semaphore, #tpu.memory_space<semaphore_mem>>
      %dma_start3A_41 = arith.constant 0 : i32
      %dma_start3A_42 = arith.constant 0 : i32
      %dma_start3A_43 = tpu.memref_slice %arg9[%dma_start3A_41, %dma_start3A_42] : memref<112x128xf32, #tpu.memory_space<vmem>> -> memref<32x128xf32, #tpu.memory_space<vmem>>
      %dma_start3A_44 = arith.constant 9968 : i32
      %dma_start3A_45 = tpu.memref_slice %arg7[%dma_start3A_44] : memref<10000xi32, #tpu.memory_space<vmem>> -> memref<32xi32, #tpu.memory_space<vmem>>
      %dma_start3A_46 = arith.constant 0 : i32
      %dma_start3A_47 = arith.constant 0 : i32
      %dma_start3A_48 = tpu.memref_slice %arg10[%dma_start3A_46, %dma_start3A_47] : memref<10240x128xf32, #tpu.memory_space<vmem_shared>> -> memref<10240x128xf32, #tpu.memory_space<vmem_shared>>
      tpu.enqueue_indirect_dma source(%dma_start3A_43 : memref<32x128xf32, #tpu.memory_space<vmem>>) target(%dma_start3A_48 : memref<10240x128xf32, #tpu.memory_space<vmem_shared>>) offsets(%dma_start3A_45 : memref<32xi32, #tpu.memory_space<vmem>>) semaphore(%run_scoped3A : memref<!tpu.dma_semaphore, #tpu.memory_space<semaphore_mem>>) {add = true}
      %dma_wait3A_49 = arith.constant 0 : i32
      %dma_wait3A_50 = arith.constant 0 : i32
      %dma_wait3A_51 = tpu.memref_slice %arg9[%dma_wait3A_49, %dma_wait3A_50] : memref<112x128xf32, #tpu.memory_space<vmem>> -> memref<32x128xf32, #tpu.memory_space<vmem>>
      %dma_wait3A_52 = arith.constant 9968 : i32
      %dma_wait3A_53 = tpu.memref_slice %arg7[%dma_wait3A_52] : memref<10000xi32, #tpu.memory_space<vmem>> -> memref<32xi32, #tpu.memory_space<vmem>>
      %dma_wait3A_54 = arith.constant 0 : i32
      %dma_wait3A_55 = arith.constant 0 : i32
      %dma_wait3A_56 = tpu.memref_slice %arg10[%dma_wait3A_54, %dma_wait3A_55] : memref<10240x128xf32, #tpu.memory_space<vmem_shared>> -> memref<10240x128xf32, #tpu.memory_space<vmem_shared>>
      tpu.wait_indirect_dma semaphore(%run_scoped3A : memref<!tpu.dma_semaphore, #tpu.memory_space<semaphore_mem>>) src(%dma_wait3A_51 : memref<32x128xf32, #tpu.memory_space<vmem>>) dst(%dma_wait3A_56 : memref<10240x128xf32, #tpu.memory_space<vmem_shared>>)
      tpu.yield
    }) : () -> ()
    %barrier3A_36 = arith.constant 0 : index
    tpu.barrier barrier_id(%barrier3A_36)
    %mul3A_37 = arith.constant 640 : i32
    %mul3A_38 = arith.muli %arg1, %mul3A_37 : i32
    %mul3A_39 = arith.constant 640 : i32
    %mul3A_40 = arith.muli %arg1, %mul3A_39 : i32
    "tpu.region"() ({
      %run_scoped3A = tpu.sem_alloc : memref<!tpu.dma_semaphore, #tpu.memory_space<semaphore_mem>>
      %dma_start3A_41 = arith.constant 0 : i32
      %dma_start3A_42 = tpu.memref_slice %arg5[%arg0, %mul3A_40, %dma_start3A_41] : memref<2x10240x128xf32, #tpu.memory_space<hbm>> -> memref<1x640x128xf32, #tpu.memory_space<hbm>>
      %dma_start3A_43 = tpu.memref_squeeze %dma_start3A_42 : memref<1x640x128xf32, #tpu.memory_space<hbm>> -> memref<640x128xf32, #tpu.memory_space<hbm>>
      %dma_start3A_44 = arith.constant 0 : i32
      %dma_start3A_45 = tpu.memref_slice %arg10[%mul3A_38, %dma_start3A_44] : memref<10240x128xf32, #tpu.memory_space<vmem_shared>> -> memref<640x128xf32, #tpu.memory_space<vmem_shared>>
      tpu.enqueue_dma source(%dma_start3A_45 : memref<640x128xf32, #tpu.memory_space<vmem_shared>>) target(%dma_start3A_43 : memref<640x128xf32, #tpu.memory_space<hbm>>) target_semaphore(%run_scoped3A : memref<!tpu.dma_semaphore, #tpu.memory_space<semaphore_mem>>)
      %dma_wait3A_46 = arith.constant 0 : i32
      %dma_wait3A_47 = tpu.memref_slice %arg5[%arg0, %mul3A_40, %dma_wait3A_46] : memref<2x10240x128xf32, #tpu.memory_space<hbm>> -> memref<1x640x128xf32, #tpu.memory_space<hbm>>
      %dma_wait3A_48 = tpu.memref_squeeze %dma_wait3A_47 : memref<1x640x128xf32, #tpu.memory_space<hbm>> -> memref<640x128xf32, #tpu.memory_space<hbm>>
      %dma_wait3A_49 = arith.constant 0 : i32
      %dma_wait3A_50 = tpu.memref_slice %arg10[%mul3A_38, %dma_wait3A_49] : memref<10240x128xf32, #tpu.memory_space<vmem_shared>> -> memref<640x128xf32, #tpu.memory_space<vmem_shared>>
      tpu.wait_dma2 semaphore(%run_scoped3A : memref<!tpu.dma_semaphore, #tpu.memory_space<semaphore_mem>>) src(%dma_wait3A_50 : memref<640x128xf32, #tpu.memory_space<vmem_shared>>) dst(%dma_wait3A_48 : memref<640x128xf32, #tpu.memory_space<hbm>>)
      tpu.yield
    }) : () -> ()
    return
  }
}

module attributes {stable_mosaic.version = 14 : i64} {
  func.func @_mlp_body(%arg0: memref<2x10240x128xf32, #tpu.memory_space<hbm>>, %arg1: memref<10000x128xf32, #tpu.memory_space<hbm>>, %arg2: memref<1x1xf32, #tpu.memory_space<vmem>>, %arg3: memref<256x128xf32, #tpu.memory_space<vmem>>, %arg4: memref<256xf32, #tpu.memory_space<vmem>>, %arg5: memref<256xf32, #tpu.memory_space<vmem>>, %arg6: memref<256xf32, #tpu.memory_space<vmem>>, %arg7: memref<128x256xf32, #tpu.memory_space<vmem>>, %arg8: memref<128xf32, #tpu.memory_space<vmem>>, %arg9: memref<128xf32, #tpu.memory_space<vmem>>, %arg10: memref<128xf32, #tpu.memory_space<vmem>>, %arg11: memref<10000x128xf32, #tpu.memory_space<vmem>>, %arg12: memref<1000x128xf32, #tpu.memory_space<vmem>>, %arg13: memref<1000x128xf32, #tpu.memory_space<vmem>>, %arg14: memref<1000x128xf32, #tpu.memory_space<vmem>>, %arg15: memref<1000x128xf32, #tpu.memory_space<vmem>>, %arg16: memref<1000x128xf32, #tpu.memory_space<vmem>>, %arg17: memref<1000x128xf32, #tpu.memory_space<vmem>>, %arg18: memref<10000x256xf32, #tpu.memory_space<vmem>>, %arg19: memref<10000x128xf32, #tpu.memory_space<vmem>>, %arg20: memref<!tpu.dma_semaphore, #tpu.memory_space<semaphore_mem>>, %arg21: memref<!tpu.dma_semaphore, #tpu.memory_space<semaphore_mem>>) attributes {dimension_semantics = [], scalar_prefetch = 0 : i64, scratch_operands = 10 : i64, tpu.core_type = #tpu.core_type<tc>} {
    %get3A = arith.constant 0 : index
    %get3A_0 = arith.constant 0 : index
    %get3A_1 = vector.load %arg2[%get3A, %get3A_0] : memref<1x1xf32, #tpu.memory_space<vmem>>, vector<1x1xf32>
    %get3A_2 = vector.extract %get3A_1[0, 0] : f32 from vector<1x1xf32>
    %dma_start3A = arith.constant 0 : i32
    %dma_start3A_3 = arith.constant 0 : i32
    %dma_start3A_4 = arith.constant 0 : i32
    %dma_start3A_5 = tpu.memref_slice %arg0[%dma_start3A, %dma_start3A_3, %dma_start3A_4] : memref<2x10240x128xf32, #tpu.memory_space<hbm>> -> memref<1x1000x128xf32, #tpu.memory_space<hbm>>
    %dma_start3A_6 = tpu.memref_squeeze %dma_start3A_5 : memref<1x1000x128xf32, #tpu.memory_space<hbm>> -> memref<1000x128xf32, #tpu.memory_space<hbm>>
    tpu.enqueue_dma source(%dma_start3A_6 : memref<1000x128xf32, #tpu.memory_space<hbm>>) target(%arg12 : memref<1000x128xf32, #tpu.memory_space<vmem>>) target_semaphore(%arg20 : memref<!tpu.dma_semaphore, #tpu.memory_space<semaphore_mem>>)
    %dma_start3A_7 = arith.constant 1 : i32
    %dma_start3A_8 = arith.constant 0 : i32
    %dma_start3A_9 = arith.constant 0 : i32
    %dma_start3A_10 = tpu.memref_slice %arg0[%dma_start3A_7, %dma_start3A_8, %dma_start3A_9] : memref<2x10240x128xf32, #tpu.memory_space<hbm>> -> memref<1x1000x128xf32, #tpu.memory_space<hbm>>
    %dma_start3A_11 = tpu.memref_squeeze %dma_start3A_10 : memref<1x1000x128xf32, #tpu.memory_space<hbm>> -> memref<1000x128xf32, #tpu.memory_space<hbm>>
    tpu.enqueue_dma source(%dma_start3A_11 : memref<1000x128xf32, #tpu.memory_space<hbm>>) target(%arg13 : memref<1000x128xf32, #tpu.memory_space<vmem>>) target_semaphore(%arg20 : memref<!tpu.dma_semaphore, #tpu.memory_space<semaphore_mem>>)
    %dma_start3A_12 = arith.constant 0 : i32
    %dma_start3A_13 = arith.constant 0 : i32
    %dma_start3A_14 = tpu.memref_slice %arg1[%dma_start3A_12, %dma_start3A_13] : memref<10000x128xf32, #tpu.memory_space<hbm>> -> memref<1000x128xf32, #tpu.memory_space<hbm>>
    tpu.enqueue_dma source(%dma_start3A_14 : memref<1000x128xf32, #tpu.memory_space<hbm>>) target(%arg14 : memref<1000x128xf32, #tpu.memory_space<vmem>>) target_semaphore(%arg20 : memref<!tpu.dma_semaphore, #tpu.memory_space<semaphore_mem>>)
    %broadcast_in_dim3A = arith.constant 0.000000e+00 : f32
    %broadcast_in_dim3A_15 = vector.broadcast %broadcast_in_dim3A : f32 to vector<1x256xf32>
    %broadcast_in_dim3A_16 = arith.constant 0.000000e+00 : f32
    %broadcast_in_dim3A_17 = vector.broadcast %broadcast_in_dim3A_16 : f32 to vector<1x256xf32>
    %dma_start3A_18 = arith.constant 0 : i32
    %dma_start3A_19 = arith.constant 1000 : i32
    %dma_start3A_20 = arith.constant 0 : i32
    %dma_start3A_21 = tpu.memref_slice %arg0[%dma_start3A_18, %dma_start3A_19, %dma_start3A_20] : memref<2x10240x128xf32, #tpu.memory_space<hbm>> -> memref<1x1000x128xf32, #tpu.memory_space<hbm>>
    %dma_start3A_22 = tpu.memref_squeeze %dma_start3A_21 : memref<1x1000x128xf32, #tpu.memory_space<hbm>> -> memref<1000x128xf32, #tpu.memory_space<hbm>>
    tpu.enqueue_dma source(%dma_start3A_22 : memref<1000x128xf32, #tpu.memory_space<hbm>>) target(%arg15 : memref<1000x128xf32, #tpu.memory_space<vmem>>) target_semaphore(%arg21 : memref<!tpu.dma_semaphore, #tpu.memory_space<semaphore_mem>>)
    %dma_start3A_23 = arith.constant 1 : i32
    %dma_start3A_24 = arith.constant 1000 : i32
    %dma_start3A_25 = arith.constant 0 : i32
    %dma_start3A_26 = tpu.memref_slice %arg0[%dma_start3A_23, %dma_start3A_24, %dma_start3A_25] : memref<2x10240x128xf32, #tpu.memory_space<hbm>> -> memref<1x1000x128xf32, #tpu.memory_space<hbm>>
    %dma_start3A_27 = tpu.memref_squeeze %dma_start3A_26 : memref<1x1000x128xf32, #tpu.memory_space<hbm>> -> memref<1000x128xf32, #tpu.memory_space<hbm>>
    tpu.enqueue_dma source(%dma_start3A_27 : memref<1000x128xf32, #tpu.memory_space<hbm>>) target(%arg16 : memref<1000x128xf32, #tpu.memory_space<vmem>>) target_semaphore(%arg21 : memref<!tpu.dma_semaphore, #tpu.memory_space<semaphore_mem>>)
    %dma_start3A_28 = arith.constant 1000 : i32
    %dma_start3A_29 = arith.constant 0 : i32
    %dma_start3A_30 = tpu.memref_slice %arg1[%dma_start3A_28, %dma_start3A_29] : memref<10000x128xf32, #tpu.memory_space<hbm>> -> memref<1000x128xf32, #tpu.memory_space<hbm>>
    tpu.enqueue_dma source(%dma_start3A_30 : memref<1000x128xf32, #tpu.memory_space<hbm>>) target(%arg17 : memref<1000x128xf32, #tpu.memory_space<vmem>>) target_semaphore(%arg21 : memref<!tpu.dma_semaphore, #tpu.memory_space<semaphore_mem>>)
    %dma_wait3A = arith.constant 0 : i32
    %dma_wait3A_31 = arith.constant 0 : i32
    %dma_wait3A_32 = arith.constant 0 : i32
    %dma_wait3A_33 = tpu.memref_slice %arg0[%dma_wait3A, %dma_wait3A_31, %dma_wait3A_32] : memref<2x10240x128xf32, #tpu.memory_space<hbm>> -> memref<1x1000x128xf32, #tpu.memory_space<hbm>>
    %dma_wait3A_34 = tpu.memref_squeeze %dma_wait3A_33 : memref<1x1000x128xf32, #tpu.memory_space<hbm>> -> memref<1000x128xf32, #tpu.memory_space<hbm>>
    tpu.wait_dma2 semaphore(%arg20 : memref<!tpu.dma_semaphore, #tpu.memory_space<semaphore_mem>>) src(%dma_wait3A_34 : memref<1000x128xf32, #tpu.memory_space<hbm>>) dst(%arg12 : memref<1000x128xf32, #tpu.memory_space<vmem>>)
    %dma_wait3A_35 = arith.constant 1 : i32
    %dma_wait3A_36 = arith.constant 0 : i32
    %dma_wait3A_37 = arith.constant 0 : i32
    %dma_wait3A_38 = tpu.memref_slice %arg0[%dma_wait3A_35, %dma_wait3A_36, %dma_wait3A_37] : memref<2x10240x128xf32, #tpu.memory_space<hbm>> -> memref<1x1000x128xf32, #tpu.memory_space<hbm>>
    %dma_wait3A_39 = tpu.memref_squeeze %dma_wait3A_38 : memref<1x1000x128xf32, #tpu.memory_space<hbm>> -> memref<1000x128xf32, #tpu.memory_space<hbm>>
    tpu.wait_dma2 semaphore(%arg20 : memref<!tpu.dma_semaphore, #tpu.memory_space<semaphore_mem>>) src(%dma_wait3A_39 : memref<1000x128xf32, #tpu.memory_space<hbm>>) dst(%arg13 : memref<1000x128xf32, #tpu.memory_space<vmem>>)
    %dma_wait3A_40 = arith.constant 0 : i32
    %dma_wait3A_41 = arith.constant 0 : i32
    %dma_wait3A_42 = tpu.memref_slice %arg1[%dma_wait3A_40, %dma_wait3A_41] : memref<10000x128xf32, #tpu.memory_space<hbm>> -> memref<1000x128xf32, #tpu.memory_space<hbm>>
    tpu.wait_dma2 semaphore(%arg20 : memref<!tpu.dma_semaphore, #tpu.memory_space<semaphore_mem>>) src(%dma_wait3A_42 : memref<1000x128xf32, #tpu.memory_space<hbm>>) dst(%arg14 : memref<1000x128xf32, #tpu.memory_space<vmem>>)
    %get3A_43 = arith.constant 0 : index
    %get3A_44 = arith.constant 0 : index
    %get3A_45 = vector.load %arg12[%get3A_43, %get3A_44] : memref<1000x128xf32, #tpu.memory_space<vmem>>, vector<1000x128xf32>
    %get3A_46 = arith.constant 0 : index
    %get3A_47 = arith.constant 0 : index
    %get3A_48 = vector.load %arg13[%get3A_46, %get3A_47] : memref<1000x128xf32, #tpu.memory_space<vmem>>, vector<1000x128xf32>
    %add3A = arith.addf %get3A_45, %get3A_48 : vector<1000x128xf32>
    %get3A_49 = arith.constant 0 : index
    %get3A_50 = arith.constant 0 : index
    %get3A_51 = vector.load %arg14[%get3A_49, %get3A_50] : memref<1000x128xf32, #tpu.memory_space<vmem>>, vector<1000x128xf32>
    %mul3A = vector.broadcast %get3A_2 : f32 to vector<1000x128xf32>
    %mul3A_52 = arith.mulf %mul3A, %get3A_51 : vector<1000x128xf32>
    %add3A_53 = arith.addf %add3A, %mul3A_52 : vector<1000x128xf32>
    %get3A_54 = arith.constant 0 : index
    %get3A_55 = arith.constant 0 : index
    %get3A_56 = vector.load %arg3[%get3A_54, %get3A_55] : memref<256x128xf32, #tpu.memory_space<vmem>>, vector<256x128xf32>
    %dot_general3A = arith.constant dense<0.000000e+00> : vector<1000x256xf32>
    %dot_general3A_57 = tpu.matmul %add3A_53, %get3A_56, %dot_general3A {dimension_numbers = #tpu.dot_dimension_numbers<[1], [1], [0], [0], [0, 0, 1, 0], [], []>, transpose_lhs_hint = false} : vector<1000x128xf32>, vector<256x128xf32>, vector<1000x256xf32> -> vector<1000x256xf32>
    %get3A_58 = arith.constant 0 : index
    %get3A_59 = vector.load %arg4[%get3A_58] : memref<256xf32, #tpu.memory_space<vmem>>, vector<256xf32>
    %broadcast_in_dim3A_60 = vector.shape_cast %get3A_59 : vector<256xf32> to vector<1x256xf32>
    %add3A_61 = vector.broadcast %broadcast_in_dim3A_60 : vector<1x256xf32> to vector<1000x256xf32>
    %add3A_62 = arith.addf %dot_general3A_57, %add3A_61 : vector<1000x256xf32>
    %swap3A = arith.constant 0 : index
    %swap3A_63 = arith.constant 0 : index
    %swap3A_64 = vector.load %arg18[%swap3A, %swap3A_63] : memref<10000x256xf32, #tpu.memory_space<vmem>>, vector<1000x256xf32>
    tpu.vector_store %arg18[%swap3A, %swap3A_63], %add3A_62 {strides = array<i32>} : memref<10000x256xf32, #tpu.memory_space<vmem>>, vector<1000x256xf32>,
    %reduce_sum3A = arith.constant dense<0.000000e+00> : vector<256xf32>
    %reduce_sum3A_65 = vector.multi_reduction <add>, %add3A_62, %reduce_sum3A [0] : vector<1000x256xf32> to vector<256xf32>
    %broadcast_in_dim3A_66 = vector.shape_cast %reduce_sum3A_65 : vector<256xf32> to vector<1x256xf32>
    %add3A_67 = arith.addf %broadcast_in_dim3A_15, %broadcast_in_dim3A_66 : vector<1x256xf32>
    %mul3A_68 = arith.mulf %add3A_62, %add3A_62 : vector<1000x256xf32>
    %reduce_sum3A_69 = arith.constant dense<0.000000e+00> : vector<256xf32>
    %reduce_sum3A_70 = vector.multi_reduction <add>, %mul3A_68, %reduce_sum3A_69 [0] : vector<1000x256xf32> to vector<256xf32>
    %broadcast_in_dim3A_71 = vector.shape_cast %reduce_sum3A_70 : vector<256xf32> to vector<1x256xf32>
    %add3A_72 = arith.addf %broadcast_in_dim3A_17, %broadcast_in_dim3A_71 : vector<1x256xf32>
    %dma_start3A_73 = arith.constant 0 : i32
    %dma_start3A_74 = arith.constant 2000 : i32
    %dma_start3A_75 = arith.constant 0 : i32
    %dma_start3A_76 = tpu.memref_slice %arg0[%dma_start3A_73, %dma_start3A_74, %dma_start3A_75] : memref<2x10240x128xf32, #tpu.memory_space<hbm>> -> memref<1x1000x128xf32, #tpu.memory_space<hbm>>
    %dma_start3A_77 = tpu.memref_squeeze %dma_start3A_76 : memref<1x1000x128xf32, #tpu.memory_space<hbm>> -> memref<1000x128xf32, #tpu.memory_space<hbm>>
    tpu.enqueue_dma source(%dma_start3A_77 : memref<1000x128xf32, #tpu.memory_space<hbm>>) target(%arg12 : memref<1000x128xf32, #tpu.memory_space<vmem>>) target_semaphore(%arg20 : memref<!tpu.dma_semaphore, #tpu.memory_space<semaphore_mem>>)
    %dma_start3A_78 = arith.constant 1 : i32
    %dma_start3A_79 = arith.constant 2000 : i32
    %dma_start3A_80 = arith.constant 0 : i32
    %dma_start3A_81 = tpu.memref_slice %arg0[%dma_start3A_78, %dma_start3A_79, %dma_start3A_80] : memref<2x10240x128xf32, #tpu.memory_space<hbm>> -> memref<1x1000x128xf32, #tpu.memory_space<hbm>>
    %dma_start3A_82 = tpu.memref_squeeze %dma_start3A_81 : memref<1x1000x128xf32, #tpu.memory_space<hbm>> -> memref<1000x128xf32, #tpu.memory_space<hbm>>
    tpu.enqueue_dma source(%dma_start3A_82 : memref<1000x128xf32, #tpu.memory_space<hbm>>) target(%arg13 : memref<1000x128xf32, #tpu.memory_space<vmem>>) target_semaphore(%arg20 : memref<!tpu.dma_semaphore, #tpu.memory_space<semaphore_mem>>)
    %dma_start3A_83 = arith.constant 2000 : i32
    %dma_start3A_84 = arith.constant 0 : i32
    %dma_start3A_85 = tpu.memref_slice %arg1[%dma_start3A_83, %dma_start3A_84] : memref<10000x128xf32, #tpu.memory_space<hbm>> -> memref<1000x128xf32, #tpu.memory_space<hbm>>
    tpu.enqueue_dma source(%dma_start3A_85 : memref<1000x128xf32, #tpu.memory_space<hbm>>) target(%arg14 : memref<1000x128xf32, #tpu.memory_space<vmem>>) target_semaphore(%arg20 : memref<!tpu.dma_semaphore, #tpu.memory_space<semaphore_mem>>)
    %dma_wait3A_86 = arith.constant 0 : i32
    %dma_wait3A_87 = arith.constant 1000 : i32
    %dma_wait3A_88 = arith.constant 0 : i32
    %dma_wait3A_89 = tpu.memref_slice %arg0[%dma_wait3A_86, %dma_wait3A_87, %dma_wait3A_88] : memref<2x10240x128xf32, #tpu.memory_space<hbm>> -> memref<1x1000x128xf32, #tpu.memory_space<hbm>>
    %dma_wait3A_90 = tpu.memref_squeeze %dma_wait3A_89 : memref<1x1000x128xf32, #tpu.memory_space<hbm>> -> memref<1000x128xf32, #tpu.memory_space<hbm>>
    tpu.wait_dma2 semaphore(%arg21 : memref<!tpu.dma_semaphore, #tpu.memory_space<semaphore_mem>>) src(%dma_wait3A_90 : memref<1000x128xf32, #tpu.memory_space<hbm>>) dst(%arg15 : memref<1000x128xf32, #tpu.memory_space<vmem>>)
    %dma_wait3A_91 = arith.constant 1 : i32
    %dma_wait3A_92 = arith.constant 1000 : i32
    %dma_wait3A_93 = arith.constant 0 : i32
    %dma_wait3A_94 = tpu.memref_slice %arg0[%dma_wait3A_91, %dma_wait3A_92, %dma_wait3A_93] : memref<2x10240x128xf32, #tpu.memory_space<hbm>> -> memref<1x1000x128xf32, #tpu.memory_space<hbm>>
    %dma_wait3A_95 = tpu.memref_squeeze %dma_wait3A_94 : memref<1x1000x128xf32, #tpu.memory_space<hbm>> -> memref<1000x128xf32, #tpu.memory_space<hbm>>
    tpu.wait_dma2 semaphore(%arg21 : memref<!tpu.dma_semaphore, #tpu.memory_space<semaphore_mem>>) src(%dma_wait3A_95 : memref<1000x128xf32, #tpu.memory_space<hbm>>) dst(%arg16 : memref<1000x128xf32, #tpu.memory_space<vmem>>)
    %dma_wait3A_96 = arith.constant 1000 : i32
    %dma_wait3A_97 = arith.constant 0 : i32
    %dma_wait3A_98 = tpu.memref_slice %arg1[%dma_wait3A_96, %dma_wait3A_97] : memref<10000x128xf32, #tpu.memory_space<hbm>> -> memref<1000x128xf32, #tpu.memory_space<hbm>>
    tpu.wait_dma2 semaphore(%arg21 : memref<!tpu.dma_semaphore, #tpu.memory_space<semaphore_mem>>) src(%dma_wait3A_98 : memref<1000x128xf32, #tpu.memory_space<hbm>>) dst(%arg17 : memref<1000x128xf32, #tpu.memory_space<vmem>>)
    %get3A_99 = arith.constant 0 : index
    %get3A_100 = arith.constant 0 : index
    %get3A_101 = vector.load %arg15[%get3A_99, %get3A_100] : memref<1000x128xf32, #tpu.memory_space<vmem>>, vector<1000x128xf32>
    %get3A_102 = arith.constant 0 : index
    %get3A_103 = arith.constant 0 : index
    %get3A_104 = vector.load %arg16[%get3A_102, %get3A_103] : memref<1000x128xf32, #tpu.memory_space<vmem>>, vector<1000x128xf32>
    %add3A_105 = arith.addf %get3A_101, %get3A_104 : vector<1000x128xf32>
    %get3A_106 = arith.constant 0 : index
    %get3A_107 = arith.constant 0 : index
    %get3A_108 = vector.load %arg17[%get3A_106, %get3A_107] : memref<1000x128xf32, #tpu.memory_space<vmem>>, vector<1000x128xf32>
    %mul3A_109 = vector.broadcast %get3A_2 : f32 to vector<1000x128xf32>
    %mul3A_110 = arith.mulf %mul3A_109, %get3A_108 : vector<1000x128xf32>
    %add3A_111 = arith.addf %add3A_105, %mul3A_110 : vector<1000x128xf32>
    %get3A_112 = arith.constant 0 : index
    %get3A_113 = arith.constant 0 : index
    %get3A_114 = vector.load %arg3[%get3A_112, %get3A_113] : memref<256x128xf32, #tpu.memory_space<vmem>>, vector<256x128xf32>
    %dot_general3A_115 = arith.constant dense<0.000000e+00> : vector<1000x256xf32>
    %dot_general3A_116 = tpu.matmul %add3A_111, %get3A_114, %dot_general3A_115 {dimension_numbers = #tpu.dot_dimension_numbers<[1], [1], [0], [0], [0, 0, 1, 0], [], []>, transpose_lhs_hint = false} : vector<1000x128xf32>, vector<256x128xf32>, vector<1000x256xf32> -> vector<1000x256xf32>
    %get3A_117 = arith.constant 0 : index
    %get3A_118 = vector.load %arg4[%get3A_117] : memref<256xf32, #tpu.memory_space<vmem>>, vector<256xf32>
    %broadcast_in_dim3A_119 = vector.shape_cast %get3A_118 : vector<256xf32> to vector<1x256xf32>
    %add3A_120 = vector.broadcast %broadcast_in_dim3A_119 : vector<1x256xf32> to vector<1000x256xf32>
    %add3A_121 = arith.addf %dot_general3A_116, %add3A_120 : vector<1000x256xf32>
    %swap3A_122 = arith.constant 1000 : index
    %swap3A_123 = arith.constant 0 : index
    %swap3A_124 = vector.load %arg18[%swap3A_122, %swap3A_123] : memref<10000x256xf32, #tpu.memory_space<vmem>>, vector<1000x256xf32>
    tpu.vector_store %arg18[%swap3A_122, %swap3A_123], %add3A_121 {strides = array<i32>} : memref<10000x256xf32, #tpu.memory_space<vmem>>, vector<1000x256xf32>,
    %reduce_sum3A_125 = arith.constant dense<0.000000e+00> : vector<256xf32>
    %reduce_sum3A_126 = vector.multi_reduction <add>, %add3A_121, %reduce_sum3A_125 [0] : vector<1000x256xf32> to vector<256xf32>
    %broadcast_in_dim3A_127 = vector.shape_cast %reduce_sum3A_126 : vector<256xf32> to vector<1x256xf32>
    %add3A_128 = arith.addf %add3A_67, %broadcast_in_dim3A_127 : vector<1x256xf32>
    %mul3A_129 = arith.mulf %add3A_121, %add3A_121 : vector<1000x256xf32>
    %reduce_sum3A_130 = arith.constant dense<0.000000e+00> : vector<256xf32>
    %reduce_sum3A_131 = vector.multi_reduction <add>, %mul3A_129, %reduce_sum3A_130 [0] : vector<1000x256xf32> to vector<256xf32>
    %broadcast_in_dim3A_132 = vector.shape_cast %reduce_sum3A_131 : vector<256xf32> to vector<1x256xf32>
    %add3A_133 = arith.addf %add3A_72, %broadcast_in_dim3A_132 : vector<1x256xf32>
    %dma_start3A_134 = arith.constant 0 : i32
    %dma_start3A_135 = arith.constant 3000 : i32
    %dma_start3A_136 = arith.constant 0 : i32
    %dma_start3A_137 = tpu.memref_slice %arg0[%dma_start3A_134, %dma_start3A_135, %dma_start3A_136] : memref<2x10240x128xf32, #tpu.memory_space<hbm>> -> memref<1x1000x128xf32, #tpu.memory_space<hbm>>
    %dma_start3A_138 = tpu.memref_squeeze %dma_start3A_137 : memref<1x1000x128xf32, #tpu.memory_space<hbm>> -> memref<1000x128xf32, #tpu.memory_space<hbm>>
    tpu.enqueue_dma source(%dma_start3A_138 : memref<1000x128xf32, #tpu.memory_space<hbm>>) target(%arg15 : memref<1000x128xf32, #tpu.memory_space<vmem>>) target_semaphore(%arg21 : memref<!tpu.dma_semaphore, #tpu.memory_space<semaphore_mem>>)
    %dma_start3A_139 = arith.constant 1 : i32
    %dma_start3A_140 = arith.constant 3000 : i32
    %dma_start3A_141 = arith.constant 0 : i32
    %dma_start3A_142 = tpu.memref_slice %arg0[%dma_start3A_139, %dma_start3A_140, %dma_start3A_141] : memref<2x10240x128xf32, #tpu.memory_space<hbm>> -> memref<1x1000x128xf32, #tpu.memory_space<hbm>>
    %dma_start3A_143 = tpu.memref_squeeze %dma_start3A_142 : memref<1x1000x128xf32, #tpu.memory_space<hbm>> -> memref<1000x128xf32, #tpu.memory_space<hbm>>
    tpu.enqueue_dma source(%dma_start3A_143 : memref<1000x128xf32, #tpu.memory_space<hbm>>) target(%arg16 : memref<1000x128xf32, #tpu.memory_space<vmem>>) target_semaphore(%arg21 : memref<!tpu.dma_semaphore, #tpu.memory_space<semaphore_mem>>)
    %dma_start3A_144 = arith.constant 3000 : i32
    %dma_start3A_145 = arith.constant 0 : i32
    %dma_start3A_146 = tpu.memref_slice %arg1[%dma_start3A_144, %dma_start3A_145] : memref<10000x128xf32, #tpu.memory_space<hbm>> -> memref<1000x128xf32, #tpu.memory_space<hbm>>
    tpu.enqueue_dma source(%dma_start3A_146 : memref<1000x128xf32, #tpu.memory_space<hbm>>) target(%arg17 : memref<1000x128xf32, #tpu.memory_space<vmem>>) target_semaphore(%arg21 : memref<!tpu.dma_semaphore, #tpu.memory_space<semaphore_mem>>)
    %dma_wait3A_147 = arith.constant 0 : i32
    %dma_wait3A_148 = arith.constant 2000 : i32
    %dma_wait3A_149 = arith.constant 0 : i32
    %dma_wait3A_150 = tpu.memref_slice %arg0[%dma_wait3A_147, %dma_wait3A_148, %dma_wait3A_149] : memref<2x10240x128xf32, #tpu.memory_space<hbm>> -> memref<1x1000x128xf32, #tpu.memory_space<hbm>>
    %dma_wait3A_151 = tpu.memref_squeeze %dma_wait3A_150 : memref<1x1000x128xf32, #tpu.memory_space<hbm>> -> memref<1000x128xf32, #tpu.memory_space<hbm>>
    tpu.wait_dma2 semaphore(%arg20 : memref<!tpu.dma_semaphore, #tpu.memory_space<semaphore_mem>>) src(%dma_wait3A_151 : memref<1000x128xf32, #tpu.memory_space<hbm>>) dst(%arg12 : memref<1000x128xf32, #tpu.memory_space<vmem>>)
    %dma_wait3A_152 = arith.constant 1 : i32
    %dma_wait3A_153 = arith.constant 2000 : i32
    %dma_wait3A_154 = arith.constant 0 : i32
    %dma_wait3A_155 = tpu.memref_slice %arg0[%dma_wait3A_152, %dma_wait3A_153, %dma_wait3A_154] : memref<2x10240x128xf32, #tpu.memory_space<hbm>> -> memref<1x1000x128xf32, #tpu.memory_space<hbm>>
    %dma_wait3A_156 = tpu.memref_squeeze %dma_wait3A_155 : memref<1x1000x128xf32, #tpu.memory_space<hbm>> -> memref<1000x128xf32, #tpu.memory_space<hbm>>
    tpu.wait_dma2 semaphore(%arg20 : memref<!tpu.dma_semaphore, #tpu.memory_space<semaphore_mem>>) src(%dma_wait3A_156 : memref<1000x128xf32, #tpu.memory_space<hbm>>) dst(%arg13 : memref<1000x128xf32, #tpu.memory_space<vmem>>)
    %dma_wait3A_157 = arith.constant 2000 : i32
    %dma_wait3A_158 = arith.constant 0 : i32
    %dma_wait3A_159 = tpu.memref_slice %arg1[%dma_wait3A_157, %dma_wait3A_158] : memref<10000x128xf32, #tpu.memory_space<hbm>> -> memref<1000x128xf32, #tpu.memory_space<hbm>>
    tpu.wait_dma2 semaphore(%arg20 : memref<!tpu.dma_semaphore, #tpu.memory_space<semaphore_mem>>) src(%dma_wait3A_159 : memref<1000x128xf32, #tpu.memory_space<hbm>>) dst(%arg14 : memref<1000x128xf32, #tpu.memory_space<vmem>>)
    %get3A_160 = arith.constant 0 : index
    %get3A_161 = arith.constant 0 : index
    %get3A_162 = vector.load %arg12[%get3A_160, %get3A_161] : memref<1000x128xf32, #tpu.memory_space<vmem>>, vector<1000x128xf32>
    %get3A_163 = arith.constant 0 : index
    %get3A_164 = arith.constant 0 : index
    %get3A_165 = vector.load %arg13[%get3A_163, %get3A_164] : memref<1000x128xf32, #tpu.memory_space<vmem>>, vector<1000x128xf32>
    %add3A_166 = arith.addf %get3A_162, %get3A_165 : vector<1000x128xf32>
    %get3A_167 = arith.constant 0 : index
    %get3A_168 = arith.constant 0 : index
    %get3A_169 = vector.load %arg14[%get3A_167, %get3A_168] : memref<1000x128xf32, #tpu.memory_space<vmem>>, vector<1000x128xf32>
    %mul3A_170 = vector.broadcast %get3A_2 : f32 to vector<1000x128xf32>
    %mul3A_171 = arith.mulf %mul3A_170, %get3A_169 : vector<1000x128xf32>
    %add3A_172 = arith.addf %add3A_166, %mul3A_171 : vector<1000x128xf32>
    %get3A_173 = arith.constant 0 : index
    %get3A_174 = arith.constant 0 : index
    %get3A_175 = vector.load %arg3[%get3A_173, %get3A_174] : memref<256x128xf32, #tpu.memory_space<vmem>>, vector<256x128xf32>
    %dot_general3A_176 = arith.constant dense<0.000000e+00> : vector<1000x256xf32>
    %dot_general3A_177 = tpu.matmul %add3A_172, %get3A_175, %dot_general3A_176 {dimension_numbers = #tpu.dot_dimension_numbers<[1], [1], [0], [0], [0, 0, 1, 0], [], []>, transpose_lhs_hint = false} : vector<1000x128xf32>, vector<256x128xf32>, vector<1000x256xf32> -> vector<1000x256xf32>
    %get3A_178 = arith.constant 0 : index
    %get3A_179 = vector.load %arg4[%get3A_178] : memref<256xf32, #tpu.memory_space<vmem>>, vector<256xf32>
    %broadcast_in_dim3A_180 = vector.shape_cast %get3A_179 : vector<256xf32> to vector<1x256xf32>
    %add3A_181 = vector.broadcast %broadcast_in_dim3A_180 : vector<1x256xf32> to vector<1000x256xf32>
    %add3A_182 = arith.addf %dot_general3A_177, %add3A_181 : vector<1000x256xf32>
    %swap3A_183 = arith.constant 2000 : index
    %swap3A_184 = arith.constant 0 : index
    %swap3A_185 = vector.load %arg18[%swap3A_183, %swap3A_184] : memref<10000x256xf32, #tpu.memory_space<vmem>>, vector<1000x256xf32>
    tpu.vector_store %arg18[%swap3A_183, %swap3A_184], %add3A_182 {strides = array<i32>} : memref<10000x256xf32, #tpu.memory_space<vmem>>, vector<1000x256xf32>,
    %reduce_sum3A_186 = arith.constant dense<0.000000e+00> : vector<256xf32>
    %reduce_sum3A_187 = vector.multi_reduction <add>, %add3A_182, %reduce_sum3A_186 [0] : vector<1000x256xf32> to vector<256xf32>
    %broadcast_in_dim3A_188 = vector.shape_cast %reduce_sum3A_187 : vector<256xf32> to vector<1x256xf32>
    %add3A_189 = arith.addf %add3A_128, %broadcast_in_dim3A_188 : vector<1x256xf32>
    %mul3A_190 = arith.mulf %add3A_182, %add3A_182 : vector<1000x256xf32>
    %reduce_sum3A_191 = arith.constant dense<0.000000e+00> : vector<256xf32>
    %reduce_sum3A_192 = vector.multi_reduction <add>, %mul3A_190, %reduce_sum3A_191 [0] : vector<1000x256xf32> to vector<256xf32>
    %broadcast_in_dim3A_193 = vector.shape_cast %reduce_sum3A_192 : vector<256xf32> to vector<1x256xf32>
    %add3A_194 = arith.addf %add3A_133, %broadcast_in_dim3A_193 : vector<1x256xf32>
    %dma_start3A_195 = arith.constant 0 : i32
    %dma_start3A_196 = arith.constant 4000 : i32
    %dma_start3A_197 = arith.constant 0 : i32
    %dma_start3A_198 = tpu.memref_slice %arg0[%dma_start3A_195, %dma_start3A_196, %dma_start3A_197] : memref<2x10240x128xf32, #tpu.memory_space<hbm>> -> memref<1x1000x128xf32, #tpu.memory_space<hbm>>
    %dma_start3A_199 = tpu.memref_squeeze %dma_start3A_198 : memref<1x1000x128xf32, #tpu.memory_space<hbm>> -> memref<1000x128xf32, #tpu.memory_space<hbm>>
    tpu.enqueue_dma source(%dma_start3A_199 : memref<1000x128xf32, #tpu.memory_space<hbm>>) target(%arg12 : memref<1000x128xf32, #tpu.memory_space<vmem>>) target_semaphore(%arg20 : memref<!tpu.dma_semaphore, #tpu.memory_space<semaphore_mem>>)
    %dma_start3A_200 = arith.constant 1 : i32
    %dma_start3A_201 = arith.constant 4000 : i32
    %dma_start3A_202 = arith.constant 0 : i32
    %dma_start3A_203 = tpu.memref_slice %arg0[%dma_start3A_200, %dma_start3A_201, %dma_start3A_202] : memref<2x10240x128xf32, #tpu.memory_space<hbm>> -> memref<1x1000x128xf32, #tpu.memory_space<hbm>>
    %dma_start3A_204 = tpu.memref_squeeze %dma_start3A_203 : memref<1x1000x128xf32, #tpu.memory_space<hbm>> -> memref<1000x128xf32, #tpu.memory_space<hbm>>
    tpu.enqueue_dma source(%dma_start3A_204 : memref<1000x128xf32, #tpu.memory_space<hbm>>) target(%arg13 : memref<1000x128xf32, #tpu.memory_space<vmem>>) target_semaphore(%arg20 : memref<!tpu.dma_semaphore, #tpu.memory_space<semaphore_mem>>)
    %dma_start3A_205 = arith.constant 4000 : i32
    %dma_start3A_206 = arith.constant 0 : i32
    %dma_start3A_207 = tpu.memref_slice %arg1[%dma_start3A_205, %dma_start3A_206] : memref<10000x128xf32, #tpu.memory_space<hbm>> -> memref<1000x128xf32, #tpu.memory_space<hbm>>
    tpu.enqueue_dma source(%dma_start3A_207 : memref<1000x128xf32, #tpu.memory_space<hbm>>) target(%arg14 : memref<1000x128xf32, #tpu.memory_space<vmem>>) target_semaphore(%arg20 : memref<!tpu.dma_semaphore, #tpu.memory_space<semaphore_mem>>)
    %dma_wait3A_208 = arith.constant 0 : i32
    %dma_wait3A_209 = arith.constant 3000 : i32
    %dma_wait3A_210 = arith.constant 0 : i32
    %dma_wait3A_211 = tpu.memref_slice %arg0[%dma_wait3A_208, %dma_wait3A_209, %dma_wait3A_210] : memref<2x10240x128xf32, #tpu.memory_space<hbm>> -> memref<1x1000x128xf32, #tpu.memory_space<hbm>>
    %dma_wait3A_212 = tpu.memref_squeeze %dma_wait3A_211 : memref<1x1000x128xf32, #tpu.memory_space<hbm>> -> memref<1000x128xf32, #tpu.memory_space<hbm>>
    tpu.wait_dma2 semaphore(%arg21 : memref<!tpu.dma_semaphore, #tpu.memory_space<semaphore_mem>>) src(%dma_wait3A_212 : memref<1000x128xf32, #tpu.memory_space<hbm>>) dst(%arg15 : memref<1000x128xf32, #tpu.memory_space<vmem>>)
    %dma_wait3A_213 = arith.constant 1 : i32
    %dma_wait3A_214 = arith.constant 3000 : i32
    %dma_wait3A_215 = arith.constant 0 : i32
    %dma_wait3A_216 = tpu.memref_slice %arg0[%dma_wait3A_213, %dma_wait3A_214, %dma_wait3A_215] : memref<2x10240x128xf32, #tpu.memory_space<hbm>> -> memref<1x1000x128xf32, #tpu.memory_space<hbm>>
    %dma_wait3A_217 = tpu.memref_squeeze %dma_wait3A_216 : memref<1x1000x128xf32, #tpu.memory_space<hbm>> -> memref<1000x128xf32, #tpu.memory_space<hbm>>
    tpu.wait_dma2 semaphore(%arg21 : memref<!tpu.dma_semaphore, #tpu.memory_space<semaphore_mem>>) src(%dma_wait3A_217 : memref<1000x128xf32, #tpu.memory_space<hbm>>) dst(%arg16 : memref<1000x128xf32, #tpu.memory_space<vmem>>)
    %dma_wait3A_218 = arith.constant 3000 : i32
    %dma_wait3A_219 = arith.constant 0 : i32
    %dma_wait3A_220 = tpu.memref_slice %arg1[%dma_wait3A_218, %dma_wait3A_219] : memref<10000x128xf32, #tpu.memory_space<hbm>> -> memref<1000x128xf32, #tpu.memory_space<hbm>>
    tpu.wait_dma2 semaphore(%arg21 : memref<!tpu.dma_semaphore, #tpu.memory_space<semaphore_mem>>) src(%dma_wait3A_220 : memref<1000x128xf32, #tpu.memory_space<hbm>>) dst(%arg17 : memref<1000x128xf32, #tpu.memory_space<vmem>>)
    %get3A_221 = arith.constant 0 : index
    %get3A_222 = arith.constant 0 : index
    %get3A_223 = vector.load %arg15[%get3A_221, %get3A_222] : memref<1000x128xf32, #tpu.memory_space<vmem>>, vector<1000x128xf32>
    %get3A_224 = arith.constant 0 : index
    %get3A_225 = arith.constant 0 : index
    %get3A_226 = vector.load %arg16[%get3A_224, %get3A_225] : memref<1000x128xf32, #tpu.memory_space<vmem>>, vector<1000x128xf32>
    %add3A_227 = arith.addf %get3A_223, %get3A_226 : vector<1000x128xf32>
    %get3A_228 = arith.constant 0 : index
    %get3A_229 = arith.constant 0 : index
    %get3A_230 = vector.load %arg17[%get3A_228, %get3A_229] : memref<1000x128xf32, #tpu.memory_space<vmem>>, vector<1000x128xf32>
    %mul3A_231 = vector.broadcast %get3A_2 : f32 to vector<1000x128xf32>
    %mul3A_232 = arith.mulf %mul3A_231, %get3A_230 : vector<1000x128xf32>
    %add3A_233 = arith.addf %add3A_227, %mul3A_232 : vector<1000x128xf32>
    %get3A_234 = arith.constant 0 : index
    %get3A_235 = arith.constant 0 : index
    %get3A_236 = vector.load %arg3[%get3A_234, %get3A_235] : memref<256x128xf32, #tpu.memory_space<vmem>>, vector<256x128xf32>
    %dot_general3A_237 = arith.constant dense<0.000000e+00> : vector<1000x256xf32>
    %dot_general3A_238 = tpu.matmul %add3A_233, %get3A_236, %dot_general3A_237 {dimension_numbers = #tpu.dot_dimension_numbers<[1], [1], [0], [0], [0, 0, 1, 0], [], []>, transpose_lhs_hint = false} : vector<1000x128xf32>, vector<256x128xf32>, vector<1000x256xf32> -> vector<1000x256xf32>
    %get3A_239 = arith.constant 0 : index
    %get3A_240 = vector.load %arg4[%get3A_239] : memref<256xf32, #tpu.memory_space<vmem>>, vector<256xf32>
    %broadcast_in_dim3A_241 = vector.shape_cast %get3A_240 : vector<256xf32> to vector<1x256xf32>
    %add3A_242 = vector.broadcast %broadcast_in_dim3A_241 : vector<1x256xf32> to vector<1000x256xf32>
    %add3A_243 = arith.addf %dot_general3A_238, %add3A_242 : vector<1000x256xf32>
    %swap3A_244 = arith.constant 3000 : index
    %swap3A_245 = arith.constant 0 : index
    %swap3A_246 = vector.load %arg18[%swap3A_244, %swap3A_245] : memref<10000x256xf32, #tpu.memory_space<vmem>>, vector<1000x256xf32>
    tpu.vector_store %arg18[%swap3A_244, %swap3A_245], %add3A_243 {strides = array<i32>} : memref<10000x256xf32, #tpu.memory_space<vmem>>, vector<1000x256xf32>,
    %reduce_sum3A_247 = arith.constant dense<0.000000e+00> : vector<256xf32>
    %reduce_sum3A_248 = vector.multi_reduction <add>, %add3A_243, %reduce_sum3A_247 [0] : vector<1000x256xf32> to vector<256xf32>
    %broadcast_in_dim3A_249 = vector.shape_cast %reduce_sum3A_248 : vector<256xf32> to vector<1x256xf32>
    %add3A_250 = arith.addf %add3A_189, %broadcast_in_dim3A_249 : vector<1x256xf32>
    %mul3A_251 = arith.mulf %add3A_243, %add3A_243 : vector<1000x256xf32>
    %reduce_sum3A_252 = arith.constant dense<0.000000e+00> : vector<256xf32>
    %reduce_sum3A_253 = vector.multi_reduction <add>, %mul3A_251, %reduce_sum3A_252 [0] : vector<1000x256xf32> to vector<256xf32>
    %broadcast_in_dim3A_254 = vector.shape_cast %reduce_sum3A_253 : vector<256xf32> to vector<1x256xf32>
    %add3A_255 = arith.addf %add3A_194, %broadcast_in_dim3A_254 : vector<1x256xf32>
    %dma_start3A_256 = arith.constant 0 : i32
    %dma_start3A_257 = arith.constant 5000 : i32
    %dma_start3A_258 = arith.constant 0 : i32
    %dma_start3A_259 = tpu.memref_slice %arg0[%dma_start3A_256, %dma_start3A_257, %dma_start3A_258] : memref<2x10240x128xf32, #tpu.memory_space<hbm>> -> memref<1x1000x128xf32, #tpu.memory_space<hbm>>
    %dma_start3A_260 = tpu.memref_squeeze %dma_start3A_259 : memref<1x1000x128xf32, #tpu.memory_space<hbm>> -> memref<1000x128xf32, #tpu.memory_space<hbm>>
    tpu.enqueue_dma source(%dma_start3A_260 : memref<1000x128xf32, #tpu.memory_space<hbm>>) target(%arg15 : memref<1000x128xf32, #tpu.memory_space<vmem>>) target_semaphore(%arg21 : memref<!tpu.dma_semaphore, #tpu.memory_space<semaphore_mem>>)
    %dma_start3A_261 = arith.constant 1 : i32
    %dma_start3A_262 = arith.constant 5000 : i32
    %dma_start3A_263 = arith.constant 0 : i32
    %dma_start3A_264 = tpu.memref_slice %arg0[%dma_start3A_261, %dma_start3A_262, %dma_start3A_263] : memref<2x10240x128xf32, #tpu.memory_space<hbm>> -> memref<1x1000x128xf32, #tpu.memory_space<hbm>>
    %dma_start3A_265 = tpu.memref_squeeze %dma_start3A_264 : memref<1x1000x128xf32, #tpu.memory_space<hbm>> -> memref<1000x128xf32, #tpu.memory_space<hbm>>
    tpu.enqueue_dma source(%dma_start3A_265 : memref<1000x128xf32, #tpu.memory_space<hbm>>) target(%arg16 : memref<1000x128xf32, #tpu.memory_space<vmem>>) target_semaphore(%arg21 : memref<!tpu.dma_semaphore, #tpu.memory_space<semaphore_mem>>)
    %dma_start3A_266 = arith.constant 5000 : i32
    %dma_start3A_267 = arith.constant 0 : i32
    %dma_start3A_268 = tpu.memref_slice %arg1[%dma_start3A_266, %dma_start3A_267] : memref<10000x128xf32, #tpu.memory_space<hbm>> -> memref<1000x128xf32, #tpu.memory_space<hbm>>
    tpu.enqueue_dma source(%dma_start3A_268 : memref<1000x128xf32, #tpu.memory_space<hbm>>) target(%arg17 : memref<1000x128xf32, #tpu.memory_space<vmem>>) target_semaphore(%arg21 : memref<!tpu.dma_semaphore, #tpu.memory_space<semaphore_mem>>)
    %dma_wait3A_269 = arith.constant 0 : i32
    %dma_wait3A_270 = arith.constant 4000 : i32
    %dma_wait3A_271 = arith.constant 0 : i32
    %dma_wait3A_272 = tpu.memref_slice %arg0[%dma_wait3A_269, %dma_wait3A_270, %dma_wait3A_271] : memref<2x10240x128xf32, #tpu.memory_space<hbm>> -> memref<1x1000x128xf32, #tpu.memory_space<hbm>>
    %dma_wait3A_273 = tpu.memref_squeeze %dma_wait3A_272 : memref<1x1000x128xf32, #tpu.memory_space<hbm>> -> memref<1000x128xf32, #tpu.memory_space<hbm>>
    tpu.wait_dma2 semaphore(%arg20 : memref<!tpu.dma_semaphore, #tpu.memory_space<semaphore_mem>>) src(%dma_wait3A_273 : memref<1000x128xf32, #tpu.memory_space<hbm>>) dst(%arg12 : memref<1000x128xf32, #tpu.memory_space<vmem>>)
    %dma_wait3A_274 = arith.constant 1 : i32
    %dma_wait3A_275 = arith.constant 4000 : i32
    %dma_wait3A_276 = arith.constant 0 : i32
    %dma_wait3A_277 = tpu.memref_slice %arg0[%dma_wait3A_274, %dma_wait3A_275, %dma_wait3A_276] : memref<2x10240x128xf32, #tpu.memory_space<hbm>> -> memref<1x1000x128xf32, #tpu.memory_space<hbm>>
    %dma_wait3A_278 = tpu.memref_squeeze %dma_wait3A_277 : memref<1x1000x128xf32, #tpu.memory_space<hbm>> -> memref<1000x128xf32, #tpu.memory_space<hbm>>
    tpu.wait_dma2 semaphore(%arg20 : memref<!tpu.dma_semaphore, #tpu.memory_space<semaphore_mem>>) src(%dma_wait3A_278 : memref<1000x128xf32, #tpu.memory_space<hbm>>) dst(%arg13 : memref<1000x128xf32, #tpu.memory_space<vmem>>)
    %dma_wait3A_279 = arith.constant 4000 : i32
    %dma_wait3A_280 = arith.constant 0 : i32
    %dma_wait3A_281 = tpu.memref_slice %arg1[%dma_wait3A_279, %dma_wait3A_280] : memref<10000x128xf32, #tpu.memory_space<hbm>> -> memref<1000x128xf32, #tpu.memory_space<hbm>>
    tpu.wait_dma2 semaphore(%arg20 : memref<!tpu.dma_semaphore, #tpu.memory_space<semaphore_mem>>) src(%dma_wait3A_281 : memref<1000x128xf32, #tpu.memory_space<hbm>>) dst(%arg14 : memref<1000x128xf32, #tpu.memory_space<vmem>>)
    %get3A_282 = arith.constant 0 : index
    %get3A_283 = arith.constant 0 : index
    %get3A_284 = vector.load %arg12[%get3A_282, %get3A_283] : memref<1000x128xf32, #tpu.memory_space<vmem>>, vector<1000x128xf32>
    %get3A_285 = arith.constant 0 : index
    %get3A_286 = arith.constant 0 : index
    %get3A_287 = vector.load %arg13[%get3A_285, %get3A_286] : memref<1000x128xf32, #tpu.memory_space<vmem>>, vector<1000x128xf32>
    %add3A_288 = arith.addf %get3A_284, %get3A_287 : vector<1000x128xf32>
    %get3A_289 = arith.constant 0 : index
    %get3A_290 = arith.constant 0 : index
    %get3A_291 = vector.load %arg14[%get3A_289, %get3A_290] : memref<1000x128xf32, #tpu.memory_space<vmem>>, vector<1000x128xf32>
    %mul3A_292 = vector.broadcast %get3A_2 : f32 to vector<1000x128xf32>
    %mul3A_293 = arith.mulf %mul3A_292, %get3A_291 : vector<1000x128xf32>
    %add3A_294 = arith.addf %add3A_288, %mul3A_293 : vector<1000x128xf32>
    %get3A_295 = arith.constant 0 : index
    %get3A_296 = arith.constant 0 : index
    %get3A_297 = vector.load %arg3[%get3A_295, %get3A_296] : memref<256x128xf32, #tpu.memory_space<vmem>>, vector<256x128xf32>
    %dot_general3A_298 = arith.constant dense<0.000000e+00> : vector<1000x256xf32>
    %dot_general3A_299 = tpu.matmul %add3A_294, %get3A_297, %dot_general3A_298 {dimension_numbers = #tpu.dot_dimension_numbers<[1], [1], [0], [0], [0, 0, 1, 0], [], []>, transpose_lhs_hint = false} : vector<1000x128xf32>, vector<256x128xf32>, vector<1000x256xf32> -> vector<1000x256xf32>
    %get3A_300 = arith.constant 0 : index
    %get3A_301 = vector.load %arg4[%get3A_300] : memref<256xf32, #tpu.memory_space<vmem>>, vector<256xf32>
    %broadcast_in_dim3A_302 = vector.shape_cast %get3A_301 : vector<256xf32> to vector<1x256xf32>
    %add3A_303 = vector.broadcast %broadcast_in_dim3A_302 : vector<1x256xf32> to vector<1000x256xf32>
    %add3A_304 = arith.addf %dot_general3A_299, %add3A_303 : vector<1000x256xf32>
    %swap3A_305 = arith.constant 4000 : index
    %swap3A_306 = arith.constant 0 : index
    %swap3A_307 = vector.load %arg18[%swap3A_305, %swap3A_306] : memref<10000x256xf32, #tpu.memory_space<vmem>>, vector<1000x256xf32>
    tpu.vector_store %arg18[%swap3A_305, %swap3A_306], %add3A_304 {strides = array<i32>} : memref<10000x256xf32, #tpu.memory_space<vmem>>, vector<1000x256xf32>,
    %reduce_sum3A_308 = arith.constant dense<0.000000e+00> : vector<256xf32>
    %reduce_sum3A_309 = vector.multi_reduction <add>, %add3A_304, %reduce_sum3A_308 [0] : vector<1000x256xf32> to vector<256xf32>
    %broadcast_in_dim3A_310 = vector.shape_cast %reduce_sum3A_309 : vector<256xf32> to vector<1x256xf32>
    %add3A_311 = arith.addf %add3A_250, %broadcast_in_dim3A_310 : vector<1x256xf32>
    %mul3A_312 = arith.mulf %add3A_304, %add3A_304 : vector<1000x256xf32>
    %reduce_sum3A_313 = arith.constant dense<0.000000e+00> : vector<256xf32>
    %reduce_sum3A_314 = vector.multi_reduction <add>, %mul3A_312, %reduce_sum3A_313 [0] : vector<1000x256xf32> to vector<256xf32>
    %broadcast_in_dim3A_315 = vector.shape_cast %reduce_sum3A_314 : vector<256xf32> to vector<1x256xf32>
    %add3A_316 = arith.addf %add3A_255, %broadcast_in_dim3A_315 : vector<1x256xf32>
    %dma_start3A_317 = arith.constant 0 : i32
    %dma_start3A_318 = arith.constant 6000 : i32
    %dma_start3A_319 = arith.constant 0 : i32
    %dma_start3A_320 = tpu.memref_slice %arg0[%dma_start3A_317, %dma_start3A_318, %dma_start3A_319] : memref<2x10240x128xf32, #tpu.memory_space<hbm>> -> memref<1x1000x128xf32, #tpu.memory_space<hbm>>
    %dma_start3A_321 = tpu.memref_squeeze %dma_start3A_320 : memref<1x1000x128xf32, #tpu.memory_space<hbm>> -> memref<1000x128xf32, #tpu.memory_space<hbm>>
    tpu.enqueue_dma source(%dma_start3A_321 : memref<1000x128xf32, #tpu.memory_space<hbm>>) target(%arg12 : memref<1000x128xf32, #tpu.memory_space<vmem>>) target_semaphore(%arg20 : memref<!tpu.dma_semaphore, #tpu.memory_space<semaphore_mem>>)
    %dma_start3A_322 = arith.constant 1 : i32
    %dma_start3A_323 = arith.constant 6000 : i32
    %dma_start3A_324 = arith.constant 0 : i32
    %dma_start3A_325 = tpu.memref_slice %arg0[%dma_start3A_322, %dma_start3A_323, %dma_start3A_324] : memref<2x10240x128xf32, #tpu.memory_space<hbm>> -> memref<1x1000x128xf32, #tpu.memory_space<hbm>>
    %dma_start3A_326 = tpu.memref_squeeze %dma_start3A_325 : memref<1x1000x128xf32, #tpu.memory_space<hbm>> -> memref<1000x128xf32, #tpu.memory_space<hbm>>
    tpu.enqueue_dma source(%dma_start3A_326 : memref<1000x128xf32, #tpu.memory_space<hbm>>) target(%arg13 : memref<1000x128xf32, #tpu.memory_space<vmem>>) target_semaphore(%arg20 : memref<!tpu.dma_semaphore, #tpu.memory_space<semaphore_mem>>)
    %dma_start3A_327 = arith.constant 6000 : i32
    %dma_start3A_328 = arith.constant 0 : i32
    %dma_start3A_329 = tpu.memref_slice %arg1[%dma_start3A_327, %dma_start3A_328] : memref<10000x128xf32, #tpu.memory_space<hbm>> -> memref<1000x128xf32, #tpu.memory_space<hbm>>
    tpu.enqueue_dma source(%dma_start3A_329 : memref<1000x128xf32, #tpu.memory_space<hbm>>) target(%arg14 : memref<1000x128xf32, #tpu.memory_space<vmem>>) target_semaphore(%arg20 : memref<!tpu.dma_semaphore, #tpu.memory_space<semaphore_mem>>)
    %dma_wait3A_330 = arith.constant 0 : i32
    %dma_wait3A_331 = arith.constant 5000 : i32
    %dma_wait3A_332 = arith.constant 0 : i32
    %dma_wait3A_333 = tpu.memref_slice %arg0[%dma_wait3A_330, %dma_wait3A_331, %dma_wait3A_332] : memref<2x10240x128xf32, #tpu.memory_space<hbm>> -> memref<1x1000x128xf32, #tpu.memory_space<hbm>>
    %dma_wait3A_334 = tpu.memref_squeeze %dma_wait3A_333 : memref<1x1000x128xf32, #tpu.memory_space<hbm>> -> memref<1000x128xf32, #tpu.memory_space<hbm>>
    tpu.wait_dma2 semaphore(%arg21 : memref<!tpu.dma_semaphore, #tpu.memory_space<semaphore_mem>>) src(%dma_wait3A_334 : memref<1000x128xf32, #tpu.memory_space<hbm>>) dst(%arg15 : memref<1000x128xf32, #tpu.memory_space<vmem>>)
    %dma_wait3A_335 = arith.constant 1 : i32
    %dma_wait3A_336 = arith.constant 5000 : i32
    %dma_wait3A_337 = arith.constant 0 : i32
    %dma_wait3A_338 = tpu.memref_slice %arg0[%dma_wait3A_335, %dma_wait3A_336, %dma_wait3A_337] : memref<2x10240x128xf32, #tpu.memory_space<hbm>> -> memref<1x1000x128xf32, #tpu.memory_space<hbm>>
    %dma_wait3A_339 = tpu.memref_squeeze %dma_wait3A_338 : memref<1x1000x128xf32, #tpu.memory_space<hbm>> -> memref<1000x128xf32, #tpu.memory_space<hbm>>
    tpu.wait_dma2 semaphore(%arg21 : memref<!tpu.dma_semaphore, #tpu.memory_space<semaphore_mem>>) src(%dma_wait3A_339 : memref<1000x128xf32, #tpu.memory_space<hbm>>) dst(%arg16 : memref<1000x128xf32, #tpu.memory_space<vmem>>)
    %dma_wait3A_340 = arith.constant 5000 : i32
    %dma_wait3A_341 = arith.constant 0 : i32
    %dma_wait3A_342 = tpu.memref_slice %arg1[%dma_wait3A_340, %dma_wait3A_341] : memref<10000x128xf32, #tpu.memory_space<hbm>> -> memref<1000x128xf32, #tpu.memory_space<hbm>>
    tpu.wait_dma2 semaphore(%arg21 : memref<!tpu.dma_semaphore, #tpu.memory_space<semaphore_mem>>) src(%dma_wait3A_342 : memref<1000x128xf32, #tpu.memory_space<hbm>>) dst(%arg17 : memref<1000x128xf32, #tpu.memory_space<vmem>>)
    %get3A_343 = arith.constant 0 : index
    %get3A_344 = arith.constant 0 : index
    %get3A_345 = vector.load %arg15[%get3A_343, %get3A_344] : memref<1000x128xf32, #tpu.memory_space<vmem>>, vector<1000x128xf32>
    %get3A_346 = arith.constant 0 : index
    %get3A_347 = arith.constant 0 : index
    %get3A_348 = vector.load %arg16[%get3A_346, %get3A_347] : memref<1000x128xf32, #tpu.memory_space<vmem>>, vector<1000x128xf32>
    %add3A_349 = arith.addf %get3A_345, %get3A_348 : vector<1000x128xf32>
    %get3A_350 = arith.constant 0 : index
    %get3A_351 = arith.constant 0 : index
    %get3A_352 = vector.load %arg17[%get3A_350, %get3A_351] : memref<1000x128xf32, #tpu.memory_space<vmem>>, vector<1000x128xf32>
    %mul3A_353 = vector.broadcast %get3A_2 : f32 to vector<1000x128xf32>
    %mul3A_354 = arith.mulf %mul3A_353, %get3A_352 : vector<1000x128xf32>
    %add3A_355 = arith.addf %add3A_349, %mul3A_354 : vector<1000x128xf32>
    %get3A_356 = arith.constant 0 : index
    %get3A_357 = arith.constant 0 : index
    %get3A_358 = vector.load %arg3[%get3A_356, %get3A_357] : memref<256x128xf32, #tpu.memory_space<vmem>>, vector<256x128xf32>
    %dot_general3A_359 = arith.constant dense<0.000000e+00> : vector<1000x256xf32>
    %dot_general3A_360 = tpu.matmul %add3A_355, %get3A_358, %dot_general3A_359 {dimension_numbers = #tpu.dot_dimension_numbers<[1], [1], [0], [0], [0, 0, 1, 0], [], []>, transpose_lhs_hint = false} : vector<1000x128xf32>, vector<256x128xf32>, vector<1000x256xf32> -> vector<1000x256xf32>
    %get3A_361 = arith.constant 0 : index
    %get3A_362 = vector.load %arg4[%get3A_361] : memref<256xf32, #tpu.memory_space<vmem>>, vector<256xf32>
    %broadcast_in_dim3A_363 = vector.shape_cast %get3A_362 : vector<256xf32> to vector<1x256xf32>
    %add3A_364 = vector.broadcast %broadcast_in_dim3A_363 : vector<1x256xf32> to vector<1000x256xf32>
    %add3A_365 = arith.addf %dot_general3A_360, %add3A_364 : vector<1000x256xf32>
    %swap3A_366 = arith.constant 5000 : index
    %swap3A_367 = arith.constant 0 : index
    %swap3A_368 = vector.load %arg18[%swap3A_366, %swap3A_367] : memref<10000x256xf32, #tpu.memory_space<vmem>>, vector<1000x256xf32>
    tpu.vector_store %arg18[%swap3A_366, %swap3A_367], %add3A_365 {strides = array<i32>} : memref<10000x256xf32, #tpu.memory_space<vmem>>, vector<1000x256xf32>,
    %reduce_sum3A_369 = arith.constant dense<0.000000e+00> : vector<256xf32>
    %reduce_sum3A_370 = vector.multi_reduction <add>, %add3A_365, %reduce_sum3A_369 [0] : vector<1000x256xf32> to vector<256xf32>
    %broadcast_in_dim3A_371 = vector.shape_cast %reduce_sum3A_370 : vector<256xf32> to vector<1x256xf32>
    %add3A_372 = arith.addf %add3A_311, %broadcast_in_dim3A_371 : vector<1x256xf32>
    %mul3A_373 = arith.mulf %add3A_365, %add3A_365 : vector<1000x256xf32>
    %reduce_sum3A_374 = arith.constant dense<0.000000e+00> : vector<256xf32>
    %reduce_sum3A_375 = vector.multi_reduction <add>, %mul3A_373, %reduce_sum3A_374 [0] : vector<1000x256xf32> to vector<256xf32>
    %broadcast_in_dim3A_376 = vector.shape_cast %reduce_sum3A_375 : vector<256xf32> to vector<1x256xf32>
    %add3A_377 = arith.addf %add3A_316, %broadcast_in_dim3A_376 : vector<1x256xf32>
    %dma_start3A_378 = arith.constant 0 : i32
    %dma_start3A_379 = arith.constant 7000 : i32
    %dma_start3A_380 = arith.constant 0 : i32
    %dma_start3A_381 = tpu.memref_slice %arg0[%dma_start3A_378, %dma_start3A_379, %dma_start3A_380] : memref<2x10240x128xf32, #tpu.memory_space<hbm>> -> memref<1x1000x128xf32, #tpu.memory_space<hbm>>
    %dma_start3A_382 = tpu.memref_squeeze %dma_start3A_381 : memref<1x1000x128xf32, #tpu.memory_space<hbm>> -> memref<1000x128xf32, #tpu.memory_space<hbm>>
    tpu.enqueue_dma source(%dma_start3A_382 : memref<1000x128xf32, #tpu.memory_space<hbm>>) target(%arg15 : memref<1000x128xf32, #tpu.memory_space<vmem>>) target_semaphore(%arg21 : memref<!tpu.dma_semaphore, #tpu.memory_space<semaphore_mem>>)
    %dma_start3A_383 = arith.constant 1 : i32
    %dma_start3A_384 = arith.constant 7000 : i32
    %dma_start3A_385 = arith.constant 0 : i32
    %dma_start3A_386 = tpu.memref_slice %arg0[%dma_start3A_383, %dma_start3A_384, %dma_start3A_385] : memref<2x10240x128xf32, #tpu.memory_space<hbm>> -> memref<1x1000x128xf32, #tpu.memory_space<hbm>>
    %dma_start3A_387 = tpu.memref_squeeze %dma_start3A_386 : memref<1x1000x128xf32, #tpu.memory_space<hbm>> -> memref<1000x128xf32, #tpu.memory_space<hbm>>
    tpu.enqueue_dma source(%dma_start3A_387 : memref<1000x128xf32, #tpu.memory_space<hbm>>) target(%arg16 : memref<1000x128xf32, #tpu.memory_space<vmem>>) target_semaphore(%arg21 : memref<!tpu.dma_semaphore, #tpu.memory_space<semaphore_mem>>)
    %dma_start3A_388 = arith.constant 7000 : i32
    %dma_start3A_389 = arith.constant 0 : i32
    %dma_start3A_390 = tpu.memref_slice %arg1[%dma_start3A_388, %dma_start3A_389] : memref<10000x128xf32, #tpu.memory_space<hbm>> -> memref<1000x128xf32, #tpu.memory_space<hbm>>
    tpu.enqueue_dma source(%dma_start3A_390 : memref<1000x128xf32, #tpu.memory_space<hbm>>) target(%arg17 : memref<1000x128xf32, #tpu.memory_space<vmem>>) target_semaphore(%arg21 : memref<!tpu.dma_semaphore, #tpu.memory_space<semaphore_mem>>)
    %dma_wait3A_391 = arith.constant 0 : i32
    %dma_wait3A_392 = arith.constant 6000 : i32
    %dma_wait3A_393 = arith.constant 0 : i32
    %dma_wait3A_394 = tpu.memref_slice %arg0[%dma_wait3A_391, %dma_wait3A_392, %dma_wait3A_393] : memref<2x10240x128xf32, #tpu.memory_space<hbm>> -> memref<1x1000x128xf32, #tpu.memory_space<hbm>>
    %dma_wait3A_395 = tpu.memref_squeeze %dma_wait3A_394 : memref<1x1000x128xf32, #tpu.memory_space<hbm>> -> memref<1000x128xf32, #tpu.memory_space<hbm>>
    tpu.wait_dma2 semaphore(%arg20 : memref<!tpu.dma_semaphore, #tpu.memory_space<semaphore_mem>>) src(%dma_wait3A_395 : memref<1000x128xf32, #tpu.memory_space<hbm>>) dst(%arg12 : memref<1000x128xf32, #tpu.memory_space<vmem>>)
    %dma_wait3A_396 = arith.constant 1 : i32
    %dma_wait3A_397 = arith.constant 6000 : i32
    %dma_wait3A_398 = arith.constant 0 : i32
    %dma_wait3A_399 = tpu.memref_slice %arg0[%dma_wait3A_396, %dma_wait3A_397, %dma_wait3A_398] : memref<2x10240x128xf32, #tpu.memory_space<hbm>> -> memref<1x1000x128xf32, #tpu.memory_space<hbm>>
    %dma_wait3A_400 = tpu.memref_squeeze %dma_wait3A_399 : memref<1x1000x128xf32, #tpu.memory_space<hbm>> -> memref<1000x128xf32, #tpu.memory_space<hbm>>
    tpu.wait_dma2 semaphore(%arg20 : memref<!tpu.dma_semaphore, #tpu.memory_space<semaphore_mem>>) src(%dma_wait3A_400 : memref<1000x128xf32, #tpu.memory_space<hbm>>) dst(%arg13 : memref<1000x128xf32, #tpu.memory_space<vmem>>)
    %dma_wait3A_401 = arith.constant 6000 : i32
    %dma_wait3A_402 = arith.constant 0 : i32
    %dma_wait3A_403 = tpu.memref_slice %arg1[%dma_wait3A_401, %dma_wait3A_402] : memref<10000x128xf32, #tpu.memory_space<hbm>> -> memref<1000x128xf32, #tpu.memory_space<hbm>>
    tpu.wait_dma2 semaphore(%arg20 : memref<!tpu.dma_semaphore, #tpu.memory_space<semaphore_mem>>) src(%dma_wait3A_403 : memref<1000x128xf32, #tpu.memory_space<hbm>>) dst(%arg14 : memref<1000x128xf32, #tpu.memory_space<vmem>>)
    %get3A_404 = arith.constant 0 : index
    %get3A_405 = arith.constant 0 : index
    %get3A_406 = vector.load %arg12[%get3A_404, %get3A_405] : memref<1000x128xf32, #tpu.memory_space<vmem>>, vector<1000x128xf32>
    %get3A_407 = arith.constant 0 : index
    %get3A_408 = arith.constant 0 : index
    %get3A_409 = vector.load %arg13[%get3A_407, %get3A_408] : memref<1000x128xf32, #tpu.memory_space<vmem>>, vector<1000x128xf32>
    %add3A_410 = arith.addf %get3A_406, %get3A_409 : vector<1000x128xf32>
    %get3A_411 = arith.constant 0 : index
    %get3A_412 = arith.constant 0 : index
    %get3A_413 = vector.load %arg14[%get3A_411, %get3A_412] : memref<1000x128xf32, #tpu.memory_space<vmem>>, vector<1000x128xf32>
    %mul3A_414 = vector.broadcast %get3A_2 : f32 to vector<1000x128xf32>
    %mul3A_415 = arith.mulf %mul3A_414, %get3A_413 : vector<1000x128xf32>
    %add3A_416 = arith.addf %add3A_410, %mul3A_415 : vector<1000x128xf32>
    %get3A_417 = arith.constant 0 : index
    %get3A_418 = arith.constant 0 : index
    %get3A_419 = vector.load %arg3[%get3A_417, %get3A_418] : memref<256x128xf32, #tpu.memory_space<vmem>>, vector<256x128xf32>
    %dot_general3A_420 = arith.constant dense<0.000000e+00> : vector<1000x256xf32>
    %dot_general3A_421 = tpu.matmul %add3A_416, %get3A_419, %dot_general3A_420 {dimension_numbers = #tpu.dot_dimension_numbers<[1], [1], [0], [0], [0, 0, 1, 0], [], []>, transpose_lhs_hint = false} : vector<1000x128xf32>, vector<256x128xf32>, vector<1000x256xf32> -> vector<1000x256xf32>
    %get3A_422 = arith.constant 0 : index
    %get3A_423 = vector.load %arg4[%get3A_422] : memref<256xf32, #tpu.memory_space<vmem>>, vector<256xf32>
    %broadcast_in_dim3A_424 = vector.shape_cast %get3A_423 : vector<256xf32> to vector<1x256xf32>
    %add3A_425 = vector.broadcast %broadcast_in_dim3A_424 : vector<1x256xf32> to vector<1000x256xf32>
    %add3A_426 = arith.addf %dot_general3A_421, %add3A_425 : vector<1000x256xf32>
    %swap3A_427 = arith.constant 6000 : index
    %swap3A_428 = arith.constant 0 : index
    %swap3A_429 = vector.load %arg18[%swap3A_427, %swap3A_428] : memref<10000x256xf32, #tpu.memory_space<vmem>>, vector<1000x256xf32>
    tpu.vector_store %arg18[%swap3A_427, %swap3A_428], %add3A_426 {strides = array<i32>} : memref<10000x256xf32, #tpu.memory_space<vmem>>, vector<1000x256xf32>,
    %reduce_sum3A_430 = arith.constant dense<0.000000e+00> : vector<256xf32>
    %reduce_sum3A_431 = vector.multi_reduction <add>, %add3A_426, %reduce_sum3A_430 [0] : vector<1000x256xf32> to vector<256xf32>
    %broadcast_in_dim3A_432 = vector.shape_cast %reduce_sum3A_431 : vector<256xf32> to vector<1x256xf32>
    %add3A_433 = arith.addf %add3A_372, %broadcast_in_dim3A_432 : vector<1x256xf32>
    %mul3A_434 = arith.mulf %add3A_426, %add3A_426 : vector<1000x256xf32>
    %reduce_sum3A_435 = arith.constant dense<0.000000e+00> : vector<256xf32>
    %reduce_sum3A_436 = vector.multi_reduction <add>, %mul3A_434, %reduce_sum3A_435 [0] : vector<1000x256xf32> to vector<256xf32>
    %broadcast_in_dim3A_437 = vector.shape_cast %reduce_sum3A_436 : vector<256xf32> to vector<1x256xf32>
    %add3A_438 = arith.addf %add3A_377, %broadcast_in_dim3A_437 : vector<1x256xf32>
    %dma_start3A_439 = arith.constant 0 : i32
    %dma_start3A_440 = arith.constant 8000 : i32
    %dma_start3A_441 = arith.constant 0 : i32
    %dma_start3A_442 = tpu.memref_slice %arg0[%dma_start3A_439, %dma_start3A_440, %dma_start3A_441] : memref<2x10240x128xf32, #tpu.memory_space<hbm>> -> memref<1x1000x128xf32, #tpu.memory_space<hbm>>
    %dma_start3A_443 = tpu.memref_squeeze %dma_start3A_442 : memref<1x1000x128xf32, #tpu.memory_space<hbm>> -> memref<1000x128xf32, #tpu.memory_space<hbm>>
    tpu.enqueue_dma source(%dma_start3A_443 : memref<1000x128xf32, #tpu.memory_space<hbm>>) target(%arg12 : memref<1000x128xf32, #tpu.memory_space<vmem>>) target_semaphore(%arg20 : memref<!tpu.dma_semaphore, #tpu.memory_space<semaphore_mem>>)
    %dma_start3A_444 = arith.constant 1 : i32
    %dma_start3A_445 = arith.constant 8000 : i32
    %dma_start3A_446 = arith.constant 0 : i32
    %dma_start3A_447 = tpu.memref_slice %arg0[%dma_start3A_444, %dma_start3A_445, %dma_start3A_446] : memref<2x10240x128xf32, #tpu.memory_space<hbm>> -> memref<1x1000x128xf32, #tpu.memory_space<hbm>>
    %dma_start3A_448 = tpu.memref_squeeze %dma_start3A_447 : memref<1x1000x128xf32, #tpu.memory_space<hbm>> -> memref<1000x128xf32, #tpu.memory_space<hbm>>
    tpu.enqueue_dma source(%dma_start3A_448 : memref<1000x128xf32, #tpu.memory_space<hbm>>) target(%arg13 : memref<1000x128xf32, #tpu.memory_space<vmem>>) target_semaphore(%arg20 : memref<!tpu.dma_semaphore, #tpu.memory_space<semaphore_mem>>)
    %dma_start3A_449 = arith.constant 8000 : i32
    %dma_start3A_450 = arith.constant 0 : i32
    %dma_start3A_451 = tpu.memref_slice %arg1[%dma_start3A_449, %dma_start3A_450] : memref<10000x128xf32, #tpu.memory_space<hbm>> -> memref<1000x128xf32, #tpu.memory_space<hbm>>
    tpu.enqueue_dma source(%dma_start3A_451 : memref<1000x128xf32, #tpu.memory_space<hbm>>) target(%arg14 : memref<1000x128xf32, #tpu.memory_space<vmem>>) target_semaphore(%arg20 : memref<!tpu.dma_semaphore, #tpu.memory_space<semaphore_mem>>)
    %dma_wait3A_452 = arith.constant 0 : i32
    %dma_wait3A_453 = arith.constant 7000 : i32
    %dma_wait3A_454 = arith.constant 0 : i32
    %dma_wait3A_455 = tpu.memref_slice %arg0[%dma_wait3A_452, %dma_wait3A_453, %dma_wait3A_454] : memref<2x10240x128xf32, #tpu.memory_space<hbm>> -> memref<1x1000x128xf32, #tpu.memory_space<hbm>>
    %dma_wait3A_456 = tpu.memref_squeeze %dma_wait3A_455 : memref<1x1000x128xf32, #tpu.memory_space<hbm>> -> memref<1000x128xf32, #tpu.memory_space<hbm>>
    tpu.wait_dma2 semaphore(%arg21 : memref<!tpu.dma_semaphore, #tpu.memory_space<semaphore_mem>>) src(%dma_wait3A_456 : memref<1000x128xf32, #tpu.memory_space<hbm>>) dst(%arg15 : memref<1000x128xf32, #tpu.memory_space<vmem>>)
    %dma_wait3A_457 = arith.constant 1 : i32
    %dma_wait3A_458 = arith.constant 7000 : i32
    %dma_wait3A_459 = arith.constant 0 : i32
    %dma_wait3A_460 = tpu.memref_slice %arg0[%dma_wait3A_457, %dma_wait3A_458, %dma_wait3A_459] : memref<2x10240x128xf32, #tpu.memory_space<hbm>> -> memref<1x1000x128xf32, #tpu.memory_space<hbm>>
    %dma_wait3A_461 = tpu.memref_squeeze %dma_wait3A_460 : memref<1x1000x128xf32, #tpu.memory_space<hbm>> -> memref<1000x128xf32, #tpu.memory_space<hbm>>
    tpu.wait_dma2 semaphore(%arg21 : memref<!tpu.dma_semaphore, #tpu.memory_space<semaphore_mem>>) src(%dma_wait3A_461 : memref<1000x128xf32, #tpu.memory_space<hbm>>) dst(%arg16 : memref<1000x128xf32, #tpu.memory_space<vmem>>)
    %dma_wait3A_462 = arith.constant 7000 : i32
    %dma_wait3A_463 = arith.constant 0 : i32
    %dma_wait3A_464 = tpu.memref_slice %arg1[%dma_wait3A_462, %dma_wait3A_463] : memref<10000x128xf32, #tpu.memory_space<hbm>> -> memref<1000x128xf32, #tpu.memory_space<hbm>>
    tpu.wait_dma2 semaphore(%arg21 : memref<!tpu.dma_semaphore, #tpu.memory_space<semaphore_mem>>) src(%dma_wait3A_464 : memref<1000x128xf32, #tpu.memory_space<hbm>>) dst(%arg17 : memref<1000x128xf32, #tpu.memory_space<vmem>>)
    %get3A_465 = arith.constant 0 : index
    %get3A_466 = arith.constant 0 : index
    %get3A_467 = vector.load %arg15[%get3A_465, %get3A_466] : memref<1000x128xf32, #tpu.memory_space<vmem>>, vector<1000x128xf32>
    %get3A_468 = arith.constant 0 : index
    %get3A_469 = arith.constant 0 : index
    %get3A_470 = vector.load %arg16[%get3A_468, %get3A_469] : memref<1000x128xf32, #tpu.memory_space<vmem>>, vector<1000x128xf32>
    %add3A_471 = arith.addf %get3A_467, %get3A_470 : vector<1000x128xf32>
    %get3A_472 = arith.constant 0 : index
    %get3A_473 = arith.constant 0 : index
    %get3A_474 = vector.load %arg17[%get3A_472, %get3A_473] : memref<1000x128xf32, #tpu.memory_space<vmem>>, vector<1000x128xf32>
    %mul3A_475 = vector.broadcast %get3A_2 : f32 to vector<1000x128xf32>
    %mul3A_476 = arith.mulf %mul3A_475, %get3A_474 : vector<1000x128xf32>
    %add3A_477 = arith.addf %add3A_471, %mul3A_476 : vector<1000x128xf32>
    %get3A_478 = arith.constant 0 : index
    %get3A_479 = arith.constant 0 : index
    %get3A_480 = vector.load %arg3[%get3A_478, %get3A_479] : memref<256x128xf32, #tpu.memory_space<vmem>>, vector<256x128xf32>
    %dot_general3A_481 = arith.constant dense<0.000000e+00> : vector<1000x256xf32>
    %dot_general3A_482 = tpu.matmul %add3A_477, %get3A_480, %dot_general3A_481 {dimension_numbers = #tpu.dot_dimension_numbers<[1], [1], [0], [0], [0, 0, 1, 0], [], []>, transpose_lhs_hint = false} : vector<1000x128xf32>, vector<256x128xf32>, vector<1000x256xf32> -> vector<1000x256xf32>
    %get3A_483 = arith.constant 0 : index
    %get3A_484 = vector.load %arg4[%get3A_483] : memref<256xf32, #tpu.memory_space<vmem>>, vector<256xf32>
    %broadcast_in_dim3A_485 = vector.shape_cast %get3A_484 : vector<256xf32> to vector<1x256xf32>
    %add3A_486 = vector.broadcast %broadcast_in_dim3A_485 : vector<1x256xf32> to vector<1000x256xf32>
    %add3A_487 = arith.addf %dot_general3A_482, %add3A_486 : vector<1000x256xf32>
    %swap3A_488 = arith.constant 7000 : index
    %swap3A_489 = arith.constant 0 : index
    %swap3A_490 = vector.load %arg18[%swap3A_488, %swap3A_489] : memref<10000x256xf32, #tpu.memory_space<vmem>>, vector<1000x256xf32>
    tpu.vector_store %arg18[%swap3A_488, %swap3A_489], %add3A_487 {strides = array<i32>} : memref<10000x256xf32, #tpu.memory_space<vmem>>, vector<1000x256xf32>,
    %reduce_sum3A_491 = arith.constant dense<0.000000e+00> : vector<256xf32>
    %reduce_sum3A_492 = vector.multi_reduction <add>, %add3A_487, %reduce_sum3A_491 [0] : vector<1000x256xf32> to vector<256xf32>
    %broadcast_in_dim3A_493 = vector.shape_cast %reduce_sum3A_492 : vector<256xf32> to vector<1x256xf32>
    %add3A_494 = arith.addf %add3A_433, %broadcast_in_dim3A_493 : vector<1x256xf32>
    %mul3A_495 = arith.mulf %add3A_487, %add3A_487 : vector<1000x256xf32>
    %reduce_sum3A_496 = arith.constant dense<0.000000e+00> : vector<256xf32>
    %reduce_sum3A_497 = vector.multi_reduction <add>, %mul3A_495, %reduce_sum3A_496 [0] : vector<1000x256xf32> to vector<256xf32>
    %broadcast_in_dim3A_498 = vector.shape_cast %reduce_sum3A_497 : vector<256xf32> to vector<1x256xf32>
    %add3A_499 = arith.addf %add3A_438, %broadcast_in_dim3A_498 : vector<1x256xf32>
    %dma_start3A_500 = arith.constant 0 : i32
    %dma_start3A_501 = arith.constant 9000 : i32
    %dma_start3A_502 = arith.constant 0 : i32
    %dma_start3A_503 = tpu.memref_slice %arg0[%dma_start3A_500, %dma_start3A_501, %dma_start3A_502] : memref<2x10240x128xf32, #tpu.memory_space<hbm>> -> memref<1x1000x128xf32, #tpu.memory_space<hbm>>
    %dma_start3A_504 = tpu.memref_squeeze %dma_start3A_503 : memref<1x1000x128xf32, #tpu.memory_space<hbm>> -> memref<1000x128xf32, #tpu.memory_space<hbm>>
    tpu.enqueue_dma source(%dma_start3A_504 : memref<1000x128xf32, #tpu.memory_space<hbm>>) target(%arg15 : memref<1000x128xf32, #tpu.memory_space<vmem>>) target_semaphore(%arg21 : memref<!tpu.dma_semaphore, #tpu.memory_space<semaphore_mem>>)
    %dma_start3A_505 = arith.constant 1 : i32
    %dma_start3A_506 = arith.constant 9000 : i32
    %dma_start3A_507 = arith.constant 0 : i32
    %dma_start3A_508 = tpu.memref_slice %arg0[%dma_start3A_505, %dma_start3A_506, %dma_start3A_507] : memref<2x10240x128xf32, #tpu.memory_space<hbm>> -> memref<1x1000x128xf32, #tpu.memory_space<hbm>>
    %dma_start3A_509 = tpu.memref_squeeze %dma_start3A_508 : memref<1x1000x128xf32, #tpu.memory_space<hbm>> -> memref<1000x128xf32, #tpu.memory_space<hbm>>
    tpu.enqueue_dma source(%dma_start3A_509 : memref<1000x128xf32, #tpu.memory_space<hbm>>) target(%arg16 : memref<1000x128xf32, #tpu.memory_space<vmem>>) target_semaphore(%arg21 : memref<!tpu.dma_semaphore, #tpu.memory_space<semaphore_mem>>)
    %dma_start3A_510 = arith.constant 9000 : i32
    %dma_start3A_511 = arith.constant 0 : i32
    %dma_start3A_512 = tpu.memref_slice %arg1[%dma_start3A_510, %dma_start3A_511] : memref<10000x128xf32, #tpu.memory_space<hbm>> -> memref<1000x128xf32, #tpu.memory_space<hbm>>
    tpu.enqueue_dma source(%dma_start3A_512 : memref<1000x128xf32, #tpu.memory_space<hbm>>) target(%arg17 : memref<1000x128xf32, #tpu.memory_space<vmem>>) target_semaphore(%arg21 : memref<!tpu.dma_semaphore, #tpu.memory_space<semaphore_mem>>)
    %dma_wait3A_513 = arith.constant 0 : i32
    %dma_wait3A_514 = arith.constant 8000 : i32
    %dma_wait3A_515 = arith.constant 0 : i32
    %dma_wait3A_516 = tpu.memref_slice %arg0[%dma_wait3A_513, %dma_wait3A_514, %dma_wait3A_515] : memref<2x10240x128xf32, #tpu.memory_space<hbm>> -> memref<1x1000x128xf32, #tpu.memory_space<hbm>>
    %dma_wait3A_517 = tpu.memref_squeeze %dma_wait3A_516 : memref<1x1000x128xf32, #tpu.memory_space<hbm>> -> memref<1000x128xf32, #tpu.memory_space<hbm>>
    tpu.wait_dma2 semaphore(%arg20 : memref<!tpu.dma_semaphore, #tpu.memory_space<semaphore_mem>>) src(%dma_wait3A_517 : memref<1000x128xf32, #tpu.memory_space<hbm>>) dst(%arg12 : memref<1000x128xf32, #tpu.memory_space<vmem>>)
    %dma_wait3A_518 = arith.constant 1 : i32
    %dma_wait3A_519 = arith.constant 8000 : i32
    %dma_wait3A_520 = arith.constant 0 : i32
    %dma_wait3A_521 = tpu.memref_slice %arg0[%dma_wait3A_518, %dma_wait3A_519, %dma_wait3A_520] : memref<2x10240x128xf32, #tpu.memory_space<hbm>> -> memref<1x1000x128xf32, #tpu.memory_space<hbm>>
    %dma_wait3A_522 = tpu.memref_squeeze %dma_wait3A_521 : memref<1x1000x128xf32, #tpu.memory_space<hbm>> -> memref<1000x128xf32, #tpu.memory_space<hbm>>
    tpu.wait_dma2 semaphore(%arg20 : memref<!tpu.dma_semaphore, #tpu.memory_space<semaphore_mem>>) src(%dma_wait3A_522 : memref<1000x128xf32, #tpu.memory_space<hbm>>) dst(%arg13 : memref<1000x128xf32, #tpu.memory_space<vmem>>)
    %dma_wait3A_523 = arith.constant 8000 : i32
    %dma_wait3A_524 = arith.constant 0 : i32
    %dma_wait3A_525 = tpu.memref_slice %arg1[%dma_wait3A_523, %dma_wait3A_524] : memref<10000x128xf32, #tpu.memory_space<hbm>> -> memref<1000x128xf32, #tpu.memory_space<hbm>>
    tpu.wait_dma2 semaphore(%arg20 : memref<!tpu.dma_semaphore, #tpu.memory_space<semaphore_mem>>) src(%dma_wait3A_525 : memref<1000x128xf32, #tpu.memory_space<hbm>>) dst(%arg14 : memref<1000x128xf32, #tpu.memory_space<vmem>>)
    %get3A_526 = arith.constant 0 : index
    %get3A_527 = arith.constant 0 : index
    %get3A_528 = vector.load %arg12[%get3A_526, %get3A_527] : memref<1000x128xf32, #tpu.memory_space<vmem>>, vector<1000x128xf32>
    %get3A_529 = arith.constant 0 : index
    %get3A_530 = arith.constant 0 : index
    %get3A_531 = vector.load %arg13[%get3A_529, %get3A_530] : memref<1000x128xf32, #tpu.memory_space<vmem>>, vector<1000x128xf32>
    %add3A_532 = arith.addf %get3A_528, %get3A_531 : vector<1000x128xf32>
    %get3A_533 = arith.constant 0 : index
    %get3A_534 = arith.constant 0 : index
    %get3A_535 = vector.load %arg14[%get3A_533, %get3A_534] : memref<1000x128xf32, #tpu.memory_space<vmem>>, vector<1000x128xf32>
    %mul3A_536 = vector.broadcast %get3A_2 : f32 to vector<1000x128xf32>
    %mul3A_537 = arith.mulf %mul3A_536, %get3A_535 : vector<1000x128xf32>
    %add3A_538 = arith.addf %add3A_532, %mul3A_537 : vector<1000x128xf32>
    %get3A_539 = arith.constant 0 : index
    %get3A_540 = arith.constant 0 : index
    %get3A_541 = vector.load %arg3[%get3A_539, %get3A_540] : memref<256x128xf32, #tpu.memory_space<vmem>>, vector<256x128xf32>
    %dot_general3A_542 = arith.constant dense<0.000000e+00> : vector<1000x256xf32>
    %dot_general3A_543 = tpu.matmul %add3A_538, %get3A_541, %dot_general3A_542 {dimension_numbers = #tpu.dot_dimension_numbers<[1], [1], [0], [0], [0, 0, 1, 0], [], []>, transpose_lhs_hint = false} : vector<1000x128xf32>, vector<256x128xf32>, vector<1000x256xf32> -> vector<1000x256xf32>
    %get3A_544 = arith.constant 0 : index
    %get3A_545 = vector.load %arg4[%get3A_544] : memref<256xf32, #tpu.memory_space<vmem>>, vector<256xf32>
    %broadcast_in_dim3A_546 = vector.shape_cast %get3A_545 : vector<256xf32> to vector<1x256xf32>
    %add3A_547 = vector.broadcast %broadcast_in_dim3A_546 : vector<1x256xf32> to vector<1000x256xf32>
    %add3A_548 = arith.addf %dot_general3A_543, %add3A_547 : vector<1000x256xf32>
    %swap3A_549 = arith.constant 8000 : index
    %swap3A_550 = arith.constant 0 : index
    %swap3A_551 = vector.load %arg18[%swap3A_549, %swap3A_550] : memref<10000x256xf32, #tpu.memory_space<vmem>>, vector<1000x256xf32>
    tpu.vector_store %arg18[%swap3A_549, %swap3A_550], %add3A_548 {strides = array<i32>} : memref<10000x256xf32, #tpu.memory_space<vmem>>, vector<1000x256xf32>,
    %reduce_sum3A_552 = arith.constant dense<0.000000e+00> : vector<256xf32>
    %reduce_sum3A_553 = vector.multi_reduction <add>, %add3A_548, %reduce_sum3A_552 [0] : vector<1000x256xf32> to vector<256xf32>
    %broadcast_in_dim3A_554 = vector.shape_cast %reduce_sum3A_553 : vector<256xf32> to vector<1x256xf32>
    %add3A_555 = arith.addf %add3A_494, %broadcast_in_dim3A_554 : vector<1x256xf32>
    %mul3A_556 = arith.mulf %add3A_548, %add3A_548 : vector<1000x256xf32>
    %reduce_sum3A_557 = arith.constant dense<0.000000e+00> : vector<256xf32>
    %reduce_sum3A_558 = vector.multi_reduction <add>, %mul3A_556, %reduce_sum3A_557 [0] : vector<1000x256xf32> to vector<256xf32>
    %broadcast_in_dim3A_559 = vector.shape_cast %reduce_sum3A_558 : vector<256xf32> to vector<1x256xf32>
    %add3A_560 = arith.addf %add3A_499, %broadcast_in_dim3A_559 : vector<1x256xf32>
    %dma_wait3A_561 = arith.constant 0 : i32
    %dma_wait3A_562 = arith.constant 9000 : i32
    %dma_wait3A_563 = arith.constant 0 : i32
    %dma_wait3A_564 = tpu.memref_slice %arg0[%dma_wait3A_561, %dma_wait3A_562, %dma_wait3A_563] : memref<2x10240x128xf32, #tpu.memory_space<hbm>> -> memref<1x1000x128xf32, #tpu.memory_space<hbm>>
    %dma_wait3A_565 = tpu.memref_squeeze %dma_wait3A_564 : memref<1x1000x128xf32, #tpu.memory_space<hbm>> -> memref<1000x128xf32, #tpu.memory_space<hbm>>
    tpu.wait_dma2 semaphore(%arg21 : memref<!tpu.dma_semaphore, #tpu.memory_space<semaphore_mem>>) src(%dma_wait3A_565 : memref<1000x128xf32, #tpu.memory_space<hbm>>) dst(%arg15 : memref<1000x128xf32, #tpu.memory_space<vmem>>)
    %dma_wait3A_566 = arith.constant 1 : i32
    %dma_wait3A_567 = arith.constant 9000 : i32
    %dma_wait3A_568 = arith.constant 0 : i32
    %dma_wait3A_569 = tpu.memref_slice %arg0[%dma_wait3A_566, %dma_wait3A_567, %dma_wait3A_568] : memref<2x10240x128xf32, #tpu.memory_space<hbm>> -> memref<1x1000x128xf32, #tpu.memory_space<hbm>>
    %dma_wait3A_570 = tpu.memref_squeeze %dma_wait3A_569 : memref<1x1000x128xf32, #tpu.memory_space<hbm>> -> memref<1000x128xf32, #tpu.memory_space<hbm>>
    tpu.wait_dma2 semaphore(%arg21 : memref<!tpu.dma_semaphore, #tpu.memory_space<semaphore_mem>>) src(%dma_wait3A_570 : memref<1000x128xf32, #tpu.memory_space<hbm>>) dst(%arg16 : memref<1000x128xf32, #tpu.memory_space<vmem>>)
    %dma_wait3A_571 = arith.constant 9000 : i32
    %dma_wait3A_572 = arith.constant 0 : i32
    %dma_wait3A_573 = tpu.memref_slice %arg1[%dma_wait3A_571, %dma_wait3A_572] : memref<10000x128xf32, #tpu.memory_space<hbm>> -> memref<1000x128xf32, #tpu.memory_space<hbm>>
    tpu.wait_dma2 semaphore(%arg21 : memref<!tpu.dma_semaphore, #tpu.memory_space<semaphore_mem>>) src(%dma_wait3A_573 : memref<1000x128xf32, #tpu.memory_space<hbm>>) dst(%arg17 : memref<1000x128xf32, #tpu.memory_space<vmem>>)
    %get3A_574 = arith.constant 0 : index
    %get3A_575 = arith.constant 0 : index
    %get3A_576 = vector.load %arg15[%get3A_574, %get3A_575] : memref<1000x128xf32, #tpu.memory_space<vmem>>, vector<1000x128xf32>
    %get3A_577 = arith.constant 0 : index
    %get3A_578 = arith.constant 0 : index
    %get3A_579 = vector.load %arg16[%get3A_577, %get3A_578] : memref<1000x128xf32, #tpu.memory_space<vmem>>, vector<1000x128xf32>
    %add3A_580 = arith.addf %get3A_576, %get3A_579 : vector<1000x128xf32>
    %get3A_581 = arith.constant 0 : index
    %get3A_582 = arith.constant 0 : index
    %get3A_583 = vector.load %arg17[%get3A_581, %get3A_582] : memref<1000x128xf32, #tpu.memory_space<vmem>>, vector<1000x128xf32>
    %mul3A_584 = vector.broadcast %get3A_2 : f32 to vector<1000x128xf32>
    %mul3A_585 = arith.mulf %mul3A_584, %get3A_583 : vector<1000x128xf32>
    %add3A_586 = arith.addf %add3A_580, %mul3A_585 : vector<1000x128xf32>
    %get3A_587 = arith.constant 0 : index
    %get3A_588 = arith.constant 0 : index
    %get3A_589 = vector.load %arg3[%get3A_587, %get3A_588] : memref<256x128xf32, #tpu.memory_space<vmem>>, vector<256x128xf32>
    %dot_general3A_590 = arith.constant dense<0.000000e+00> : vector<1000x256xf32>
    %dot_general3A_591 = tpu.matmul %add3A_586, %get3A_589, %dot_general3A_590 {dimension_numbers = #tpu.dot_dimension_numbers<[1], [1], [0], [0], [0, 0, 1, 0], [], []>, transpose_lhs_hint = false} : vector<1000x128xf32>, vector<256x128xf32>, vector<1000x256xf32> -> vector<1000x256xf32>
    %get3A_592 = arith.constant 0 : index
    %get3A_593 = vector.load %arg4[%get3A_592] : memref<256xf32, #tpu.memory_space<vmem>>, vector<256xf32>
    %broadcast_in_dim3A_594 = vector.shape_cast %get3A_593 : vector<256xf32> to vector<1x256xf32>
    %add3A_595 = vector.broadcast %broadcast_in_dim3A_594 : vector<1x256xf32> to vector<1000x256xf32>
    %add3A_596 = arith.addf %dot_general3A_591, %add3A_595 : vector<1000x256xf32>
    %swap3A_597 = arith.constant 9000 : index
    %swap3A_598 = arith.constant 0 : index
    %swap3A_599 = vector.load %arg18[%swap3A_597, %swap3A_598] : memref<10000x256xf32, #tpu.memory_space<vmem>>, vector<1000x256xf32>
    tpu.vector_store %arg18[%swap3A_597, %swap3A_598], %add3A_596 {strides = array<i32>} : memref<10000x256xf32, #tpu.memory_space<vmem>>, vector<1000x256xf32>,
    %reduce_sum3A_600 = arith.constant dense<0.000000e+00> : vector<256xf32>
    %reduce_sum3A_601 = vector.multi_reduction <add>, %add3A_596, %reduce_sum3A_600 [0] : vector<1000x256xf32> to vector<256xf32>
    %broadcast_in_dim3A_602 = vector.shape_cast %reduce_sum3A_601 : vector<256xf32> to vector<1x256xf32>
    %add3A_603 = arith.addf %add3A_555, %broadcast_in_dim3A_602 : vector<1x256xf32>
    %mul3A_604 = arith.mulf %add3A_596, %add3A_596 : vector<1000x256xf32>
    %reduce_sum3A_605 = arith.constant dense<0.000000e+00> : vector<256xf32>
    %reduce_sum3A_606 = vector.multi_reduction <add>, %mul3A_604, %reduce_sum3A_605 [0] : vector<1000x256xf32> to vector<256xf32>
    %broadcast_in_dim3A_607 = vector.shape_cast %reduce_sum3A_606 : vector<256xf32> to vector<1x256xf32>
    %add3A_608 = arith.addf %add3A_560, %broadcast_in_dim3A_607 : vector<1x256xf32>
    %mul3A_609 = arith.constant 9.99999974E-5 : f32
    %mul3A_610 = vector.broadcast %mul3A_609 : f32 to vector<1x256xf32>
    %mul3A_611 = arith.mulf %add3A_603, %mul3A_610 : vector<1x256xf32>
    %mul3A_612 = arith.constant 9.99999974E-5 : f32
    %mul3A_613 = vector.broadcast %mul3A_612 : f32 to vector<1x256xf32>
    %mul3A_614 = arith.mulf %add3A_608, %mul3A_613 : vector<1x256xf32>
    %mul3A_615 = arith.mulf %mul3A_611, %mul3A_611 : vector<1x256xf32>
    %sub3A = arith.subf %mul3A_614, %mul3A_615 : vector<1x256xf32>
    %add3A_616 = arith.constant 9.99999974E-6 : f32
    %add3A_617 = vector.broadcast %add3A_616 : f32 to vector<1x256xf32>
    %add3A_618 = arith.addf %sub3A, %add3A_617 : vector<1x256xf32>
    %rsqrt3A = math.rsqrt %add3A_618 : vector<1x256xf32>
    %get3A_619 = arith.constant 0 : index
    %get3A_620 = vector.load %arg5[%get3A_619] : memref<256xf32, #tpu.memory_space<vmem>>, vector<256xf32>
    %broadcast_in_dim3A_621 = vector.shape_cast %get3A_620 : vector<256xf32> to vector<1x256xf32>
    %mul3A_622 = arith.mulf %rsqrt3A, %broadcast_in_dim3A_621 : vector<1x256xf32>
    %broadcast_in_dim3A_623 = arith.constant 0.000000e+00 : f32
    %broadcast_in_dim3A_624 = vector.broadcast %broadcast_in_dim3A_623 : f32 to vector<1x128xf32>
    %broadcast_in_dim3A_625 = arith.constant 0.000000e+00 : f32
    %broadcast_in_dim3A_626 = vector.broadcast %broadcast_in_dim3A_625 : f32 to vector<1x128xf32>
    %get3A_627 = arith.constant 0 : index
    %get3A_628 = arith.constant 0 : index
    %get3A_629 = vector.load %arg18[%get3A_627, %get3A_628] : memref<10000x256xf32, #tpu.memory_space<vmem>>, vector<1000x256xf32>
    %sub3A_630 = vector.broadcast %mul3A_611 : vector<1x256xf32> to vector<1000x256xf32>
    %sub3A_631 = arith.subf %get3A_629, %sub3A_630 : vector<1000x256xf32>
    %mul3A_632 = vector.broadcast %mul3A_622 : vector<1x256xf32> to vector<1000x256xf32>
    %mul3A_633 = arith.mulf %sub3A_631, %mul3A_632 : vector<1000x256xf32>
    %get3A_634 = arith.constant 0 : index
    %get3A_635 = vector.load %arg6[%get3A_634] : memref<256xf32, #tpu.memory_space<vmem>>, vector<256xf32>
    %broadcast_in_dim3A_636 = vector.shape_cast %get3A_635 : vector<256xf32> to vector<1x256xf32>
    %add3A_637 = vector.broadcast %broadcast_in_dim3A_636 : vector<1x256xf32> to vector<1000x256xf32>
    %add3A_638 = arith.addf %mul3A_633, %add3A_637 : vector<1000x256xf32>
    %max3A = arith.constant 0.000000e+00 : f32
    %max3A_639 = vector.broadcast %max3A : f32 to vector<1000x256xf32>
    %max3A_640 = arith.maximumf %add3A_638, %max3A_639 : vector<1000x256xf32>
    %get3A_641 = arith.constant 0 : index
    %get3A_642 = arith.constant 0 : index
    %get3A_643 = vector.load %arg7[%get3A_641, %get3A_642] : memref<128x256xf32, #tpu.memory_space<vmem>>, vector<128x256xf32>
    %dot_general3A_644 = arith.constant dense<0.000000e+00> : vector<1000x128xf32>
    %dot_general3A_645 = tpu.matmul %max3A_640, %get3A_643, %dot_general3A_644 {dimension_numbers = #tpu.dot_dimension_numbers<[1], [1], [0], [0], [0, 0, 1, 0], [], []>, transpose_lhs_hint = false} : vector<1000x256xf32>, vector<128x256xf32>, vector<1000x128xf32> -> vector<1000x128xf32>
    %get3A_646 = arith.constant 0 : index
    %get3A_647 = vector.load %arg8[%get3A_646] : memref<128xf32, #tpu.memory_space<vmem>>, vector<128xf32>
    %broadcast_in_dim3A_648 = vector.shape_cast %get3A_647 : vector<128xf32> to vector<1x128xf32>
    %add3A_649 = vector.broadcast %broadcast_in_dim3A_648 : vector<1x128xf32> to vector<1000x128xf32>
    %add3A_650 = arith.addf %dot_general3A_645, %add3A_649 : vector<1000x128xf32>
    %swap3A_651 = arith.constant 0 : index
    %swap3A_652 = arith.constant 0 : index
    %swap3A_653 = vector.load %arg19[%swap3A_651, %swap3A_652] : memref<10000x128xf32, #tpu.memory_space<vmem>>, vector<1000x128xf32>
    tpu.vector_store %arg19[%swap3A_651, %swap3A_652], %add3A_650 {strides = array<i32>} : memref<10000x128xf32, #tpu.memory_space<vmem>>, vector<1000x128xf32>,
    %reduce_sum3A_654 = arith.constant dense<0.000000e+00> : vector<128xf32>
    %reduce_sum3A_655 = vector.multi_reduction <add>, %add3A_650, %reduce_sum3A_654 [0] : vector<1000x128xf32> to vector<128xf32>
    %broadcast_in_dim3A_656 = vector.shape_cast %reduce_sum3A_655 : vector<128xf32> to vector<1x128xf32>
    %add3A_657 = arith.addf %broadcast_in_dim3A_624, %broadcast_in_dim3A_656 : vector<1x128xf32>
    %mul3A_658 = arith.mulf %add3A_650, %add3A_650 : vector<1000x128xf32>
    %reduce_sum3A_659 = arith.constant dense<0.000000e+00> : vector<128xf32>
    %reduce_sum3A_660 = vector.multi_reduction <add>, %mul3A_658, %reduce_sum3A_659 [0] : vector<1000x128xf32> to vector<128xf32>
    %broadcast_in_dim3A_661 = vector.shape_cast %reduce_sum3A_660 : vector<128xf32> to vector<1x128xf32>
    %add3A_662 = arith.addf %broadcast_in_dim3A_626, %broadcast_in_dim3A_661 : vector<1x128xf32>
    %get3A_663 = arith.constant 1000 : index
    %get3A_664 = arith.constant 0 : index
    %get3A_665 = vector.load %arg18[%get3A_663, %get3A_664] : memref<10000x256xf32, #tpu.memory_space<vmem>>, vector<1000x256xf32>
    %sub3A_666 = vector.broadcast %mul3A_611 : vector<1x256xf32> to vector<1000x256xf32>
    %sub3A_667 = arith.subf %get3A_665, %sub3A_666 : vector<1000x256xf32>
    %mul3A_668 = vector.broadcast %mul3A_622 : vector<1x256xf32> to vector<1000x256xf32>
    %mul3A_669 = arith.mulf %sub3A_667, %mul3A_668 : vector<1000x256xf32>
    %get3A_670 = arith.constant 0 : index
    %get3A_671 = vector.load %arg6[%get3A_670] : memref<256xf32, #tpu.memory_space<vmem>>, vector<256xf32>
    %broadcast_in_dim3A_672 = vector.shape_cast %get3A_671 : vector<256xf32> to vector<1x256xf32>
    %add3A_673 = vector.broadcast %broadcast_in_dim3A_672 : vector<1x256xf32> to vector<1000x256xf32>
    %add3A_674 = arith.addf %mul3A_669, %add3A_673 : vector<1000x256xf32>
    %max3A_675 = arith.constant 0.000000e+00 : f32
    %max3A_676 = vector.broadcast %max3A_675 : f32 to vector<1000x256xf32>
    %max3A_677 = arith.maximumf %add3A_674, %max3A_676 : vector<1000x256xf32>
    %get3A_678 = arith.constant 0 : index
    %get3A_679 = arith.constant 0 : index
    %get3A_680 = vector.load %arg7[%get3A_678, %get3A_679] : memref<128x256xf32, #tpu.memory_space<vmem>>, vector<128x256xf32>
    %dot_general3A_681 = arith.constant dense<0.000000e+00> : vector<1000x128xf32>
    %dot_general3A_682 = tpu.matmul %max3A_677, %get3A_680, %dot_general3A_681 {dimension_numbers = #tpu.dot_dimension_numbers<[1], [1], [0], [0], [0, 0, 1, 0], [], []>, transpose_lhs_hint = false} : vector<1000x256xf32>, vector<128x256xf32>, vector<1000x128xf32> -> vector<1000x128xf32>
    %get3A_683 = arith.constant 0 : index
    %get3A_684 = vector.load %arg8[%get3A_683] : memref<128xf32, #tpu.memory_space<vmem>>, vector<128xf32>
    %broadcast_in_dim3A_685 = vector.shape_cast %get3A_684 : vector<128xf32> to vector<1x128xf32>
    %add3A_686 = vector.broadcast %broadcast_in_dim3A_685 : vector<1x128xf32> to vector<1000x128xf32>
    %add3A_687 = arith.addf %dot_general3A_682, %add3A_686 : vector<1000x128xf32>
    %swap3A_688 = arith.constant 1000 : index
    %swap3A_689 = arith.constant 0 : index
    %swap3A_690 = vector.load %arg19[%swap3A_688, %swap3A_689] : memref<10000x128xf32, #tpu.memory_space<vmem>>, vector<1000x128xf32>
    tpu.vector_store %arg19[%swap3A_688, %swap3A_689], %add3A_687 {strides = array<i32>} : memref<10000x128xf32, #tpu.memory_space<vmem>>, vector<1000x128xf32>,
    %reduce_sum3A_691 = arith.constant dense<0.000000e+00> : vector<128xf32>
    %reduce_sum3A_692 = vector.multi_reduction <add>, %add3A_687, %reduce_sum3A_691 [0] : vector<1000x128xf32> to vector<128xf32>
    %broadcast_in_dim3A_693 = vector.shape_cast %reduce_sum3A_692 : vector<128xf32> to vector<1x128xf32>
    %add3A_694 = arith.addf %add3A_657, %broadcast_in_dim3A_693 : vector<1x128xf32>
    %mul3A_695 = arith.mulf %add3A_687, %add3A_687 : vector<1000x128xf32>
    %reduce_sum3A_696 = arith.constant dense<0.000000e+00> : vector<128xf32>
    %reduce_sum3A_697 = vector.multi_reduction <add>, %mul3A_695, %reduce_sum3A_696 [0] : vector<1000x128xf32> to vector<128xf32>
    %broadcast_in_dim3A_698 = vector.shape_cast %reduce_sum3A_697 : vector<128xf32> to vector<1x128xf32>
    %add3A_699 = arith.addf %add3A_662, %broadcast_in_dim3A_698 : vector<1x128xf32>
    %get3A_700 = arith.constant 2000 : index
    %get3A_701 = arith.constant 0 : index
    %get3A_702 = vector.load %arg18[%get3A_700, %get3A_701] : memref<10000x256xf32, #tpu.memory_space<vmem>>, vector<1000x256xf32>
    %sub3A_703 = vector.broadcast %mul3A_611 : vector<1x256xf32> to vector<1000x256xf32>
    %sub3A_704 = arith.subf %get3A_702, %sub3A_703 : vector<1000x256xf32>
    %mul3A_705 = vector.broadcast %mul3A_622 : vector<1x256xf32> to vector<1000x256xf32>
    %mul3A_706 = arith.mulf %sub3A_704, %mul3A_705 : vector<1000x256xf32>
    %get3A_707 = arith.constant 0 : index
    %get3A_708 = vector.load %arg6[%get3A_707] : memref<256xf32, #tpu.memory_space<vmem>>, vector<256xf32>
    %broadcast_in_dim3A_709 = vector.shape_cast %get3A_708 : vector<256xf32> to vector<1x256xf32>
    %add3A_710 = vector.broadcast %broadcast_in_dim3A_709 : vector<1x256xf32> to vector<1000x256xf32>
    %add3A_711 = arith.addf %mul3A_706, %add3A_710 : vector<1000x256xf32>
    %max3A_712 = arith.constant 0.000000e+00 : f32
    %max3A_713 = vector.broadcast %max3A_712 : f32 to vector<1000x256xf32>
    %max3A_714 = arith.maximumf %add3A_711, %max3A_713 : vector<1000x256xf32>
    %get3A_715 = arith.constant 0 : index
    %get3A_716 = arith.constant 0 : index
    %get3A_717 = vector.load %arg7[%get3A_715, %get3A_716] : memref<128x256xf32, #tpu.memory_space<vmem>>, vector<128x256xf32>
    %dot_general3A_718 = arith.constant dense<0.000000e+00> : vector<1000x128xf32>
    %dot_general3A_719 = tpu.matmul %max3A_714, %get3A_717, %dot_general3A_718 {dimension_numbers = #tpu.dot_dimension_numbers<[1], [1], [0], [0], [0, 0, 1, 0], [], []>, transpose_lhs_hint = false} : vector<1000x256xf32>, vector<128x256xf32>, vector<1000x128xf32> -> vector<1000x128xf32>
    %get3A_720 = arith.constant 0 : index
    %get3A_721 = vector.load %arg8[%get3A_720] : memref<128xf32, #tpu.memory_space<vmem>>, vector<128xf32>
    %broadcast_in_dim3A_722 = vector.shape_cast %get3A_721 : vector<128xf32> to vector<1x128xf32>
    %add3A_723 = vector.broadcast %broadcast_in_dim3A_722 : vector<1x128xf32> to vector<1000x128xf32>
    %add3A_724 = arith.addf %dot_general3A_719, %add3A_723 : vector<1000x128xf32>
    %swap3A_725 = arith.constant 2000 : index
    %swap3A_726 = arith.constant 0 : index
    %swap3A_727 = vector.load %arg19[%swap3A_725, %swap3A_726] : memref<10000x128xf32, #tpu.memory_space<vmem>>, vector<1000x128xf32>
    tpu.vector_store %arg19[%swap3A_725, %swap3A_726], %add3A_724 {strides = array<i32>} : memref<10000x128xf32, #tpu.memory_space<vmem>>, vector<1000x128xf32>,
    %reduce_sum3A_728 = arith.constant dense<0.000000e+00> : vector<128xf32>
    %reduce_sum3A_729 = vector.multi_reduction <add>, %add3A_724, %reduce_sum3A_728 [0] : vector<1000x128xf32> to vector<128xf32>
    %broadcast_in_dim3A_730 = vector.shape_cast %reduce_sum3A_729 : vector<128xf32> to vector<1x128xf32>
    %add3A_731 = arith.addf %add3A_694, %broadcast_in_dim3A_730 : vector<1x128xf32>
    %mul3A_732 = arith.mulf %add3A_724, %add3A_724 : vector<1000x128xf32>
    %reduce_sum3A_733 = arith.constant dense<0.000000e+00> : vector<128xf32>
    %reduce_sum3A_734 = vector.multi_reduction <add>, %mul3A_732, %reduce_sum3A_733 [0] : vector<1000x128xf32> to vector<128xf32>
    %broadcast_in_dim3A_735 = vector.shape_cast %reduce_sum3A_734 : vector<128xf32> to vector<1x128xf32>
    %add3A_736 = arith.addf %add3A_699, %broadcast_in_dim3A_735 : vector<1x128xf32>
    %get3A_737 = arith.constant 3000 : index
    %get3A_738 = arith.constant 0 : index
    %get3A_739 = vector.load %arg18[%get3A_737, %get3A_738] : memref<10000x256xf32, #tpu.memory_space<vmem>>, vector<1000x256xf32>
    %sub3A_740 = vector.broadcast %mul3A_611 : vector<1x256xf32> to vector<1000x256xf32>
    %sub3A_741 = arith.subf %get3A_739, %sub3A_740 : vector<1000x256xf32>
    %mul3A_742 = vector.broadcast %mul3A_622 : vector<1x256xf32> to vector<1000x256xf32>
    %mul3A_743 = arith.mulf %sub3A_741, %mul3A_742 : vector<1000x256xf32>
    %get3A_744 = arith.constant 0 : index
    %get3A_745 = vector.load %arg6[%get3A_744] : memref<256xf32, #tpu.memory_space<vmem>>, vector<256xf32>
    %broadcast_in_dim3A_746 = vector.shape_cast %get3A_745 : vector<256xf32> to vector<1x256xf32>
    %add3A_747 = vector.broadcast %broadcast_in_dim3A_746 : vector<1x256xf32> to vector<1000x256xf32>
    %add3A_748 = arith.addf %mul3A_743, %add3A_747 : vector<1000x256xf32>
    %max3A_749 = arith.constant 0.000000e+00 : f32
    %max3A_750 = vector.broadcast %max3A_749 : f32 to vector<1000x256xf32>
    %max3A_751 = arith.maximumf %add3A_748, %max3A_750 : vector<1000x256xf32>
    %get3A_752 = arith.constant 0 : index
    %get3A_753 = arith.constant 0 : index
    %get3A_754 = vector.load %arg7[%get3A_752, %get3A_753] : memref<128x256xf32, #tpu.memory_space<vmem>>, vector<128x256xf32>
    %dot_general3A_755 = arith.constant dense<0.000000e+00> : vector<1000x128xf32>
    %dot_general3A_756 = tpu.matmul %max3A_751, %get3A_754, %dot_general3A_755 {dimension_numbers = #tpu.dot_dimension_numbers<[1], [1], [0], [0], [0, 0, 1, 0], [], []>, transpose_lhs_hint = false} : vector<1000x256xf32>, vector<128x256xf32>, vector<1000x128xf32> -> vector<1000x128xf32>
    %get3A_757 = arith.constant 0 : index
    %get3A_758 = vector.load %arg8[%get3A_757] : memref<128xf32, #tpu.memory_space<vmem>>, vector<128xf32>
    %broadcast_in_dim3A_759 = vector.shape_cast %get3A_758 : vector<128xf32> to vector<1x128xf32>
    %add3A_760 = vector.broadcast %broadcast_in_dim3A_759 : vector<1x128xf32> to vector<1000x128xf32>
    %add3A_761 = arith.addf %dot_general3A_756, %add3A_760 : vector<1000x128xf32>
    %swap3A_762 = arith.constant 3000 : index
    %swap3A_763 = arith.constant 0 : index
    %swap3A_764 = vector.load %arg19[%swap3A_762, %swap3A_763] : memref<10000x128xf32, #tpu.memory_space<vmem>>, vector<1000x128xf32>
    tpu.vector_store %arg19[%swap3A_762, %swap3A_763], %add3A_761 {strides = array<i32>} : memref<10000x128xf32, #tpu.memory_space<vmem>>, vector<1000x128xf32>,
    %reduce_sum3A_765 = arith.constant dense<0.000000e+00> : vector<128xf32>
    %reduce_sum3A_766 = vector.multi_reduction <add>, %add3A_761, %reduce_sum3A_765 [0] : vector<1000x128xf32> to vector<128xf32>
    %broadcast_in_dim3A_767 = vector.shape_cast %reduce_sum3A_766 : vector<128xf32> to vector<1x128xf32>
    %add3A_768 = arith.addf %add3A_731, %broadcast_in_dim3A_767 : vector<1x128xf32>
    %mul3A_769 = arith.mulf %add3A_761, %add3A_761 : vector<1000x128xf32>
    %reduce_sum3A_770 = arith.constant dense<0.000000e+00> : vector<128xf32>
    %reduce_sum3A_771 = vector.multi_reduction <add>, %mul3A_769, %reduce_sum3A_770 [0] : vector<1000x128xf32> to vector<128xf32>
    %broadcast_in_dim3A_772 = vector.shape_cast %reduce_sum3A_771 : vector<128xf32> to vector<1x128xf32>
    %add3A_773 = arith.addf %add3A_736, %broadcast_in_dim3A_772 : vector<1x128xf32>
    %get3A_774 = arith.constant 4000 : index
    %get3A_775 = arith.constant 0 : index
    %get3A_776 = vector.load %arg18[%get3A_774, %get3A_775] : memref<10000x256xf32, #tpu.memory_space<vmem>>, vector<1000x256xf32>
    %sub3A_777 = vector.broadcast %mul3A_611 : vector<1x256xf32> to vector<1000x256xf32>
    %sub3A_778 = arith.subf %get3A_776, %sub3A_777 : vector<1000x256xf32>
    %mul3A_779 = vector.broadcast %mul3A_622 : vector<1x256xf32> to vector<1000x256xf32>
    %mul3A_780 = arith.mulf %sub3A_778, %mul3A_779 : vector<1000x256xf32>
    %get3A_781 = arith.constant 0 : index
    %get3A_782 = vector.load %arg6[%get3A_781] : memref<256xf32, #tpu.memory_space<vmem>>, vector<256xf32>
    %broadcast_in_dim3A_783 = vector.shape_cast %get3A_782 : vector<256xf32> to vector<1x256xf32>
    %add3A_784 = vector.broadcast %broadcast_in_dim3A_783 : vector<1x256xf32> to vector<1000x256xf32>
    %add3A_785 = arith.addf %mul3A_780, %add3A_784 : vector<1000x256xf32>
    %max3A_786 = arith.constant 0.000000e+00 : f32
    %max3A_787 = vector.broadcast %max3A_786 : f32 to vector<1000x256xf32>
    %max3A_788 = arith.maximumf %add3A_785, %max3A_787 : vector<1000x256xf32>
    %get3A_789 = arith.constant 0 : index
    %get3A_790 = arith.constant 0 : index
    %get3A_791 = vector.load %arg7[%get3A_789, %get3A_790] : memref<128x256xf32, #tpu.memory_space<vmem>>, vector<128x256xf32>
    %dot_general3A_792 = arith.constant dense<0.000000e+00> : vector<1000x128xf32>
    %dot_general3A_793 = tpu.matmul %max3A_788, %get3A_791, %dot_general3A_792 {dimension_numbers = #tpu.dot_dimension_numbers<[1], [1], [0], [0], [0, 0, 1, 0], [], []>, transpose_lhs_hint = false} : vector<1000x256xf32>, vector<128x256xf32>, vector<1000x128xf32> -> vector<1000x128xf32>
    %get3A_794 = arith.constant 0 : index
    %get3A_795 = vector.load %arg8[%get3A_794] : memref<128xf32, #tpu.memory_space<vmem>>, vector<128xf32>
    %broadcast_in_dim3A_796 = vector.shape_cast %get3A_795 : vector<128xf32> to vector<1x128xf32>
    %add3A_797 = vector.broadcast %broadcast_in_dim3A_796 : vector<1x128xf32> to vector<1000x128xf32>
    %add3A_798 = arith.addf %dot_general3A_793, %add3A_797 : vector<1000x128xf32>
    %swap3A_799 = arith.constant 4000 : index
    %swap3A_800 = arith.constant 0 : index
    %swap3A_801 = vector.load %arg19[%swap3A_799, %swap3A_800] : memref<10000x128xf32, #tpu.memory_space<vmem>>, vector<1000x128xf32>
    tpu.vector_store %arg19[%swap3A_799, %swap3A_800], %add3A_798 {strides = array<i32>} : memref<10000x128xf32, #tpu.memory_space<vmem>>, vector<1000x128xf32>,
    %reduce_sum3A_802 = arith.constant dense<0.000000e+00> : vector<128xf32>
    %reduce_sum3A_803 = vector.multi_reduction <add>, %add3A_798, %reduce_sum3A_802 [0] : vector<1000x128xf32> to vector<128xf32>
    %broadcast_in_dim3A_804 = vector.shape_cast %reduce_sum3A_803 : vector<128xf32> to vector<1x128xf32>
    %add3A_805 = arith.addf %add3A_768, %broadcast_in_dim3A_804 : vector<1x128xf32>
    %mul3A_806 = arith.mulf %add3A_798, %add3A_798 : vector<1000x128xf32>
    %reduce_sum3A_807 = arith.constant dense<0.000000e+00> : vector<128xf32>
    %reduce_sum3A_808 = vector.multi_reduction <add>, %mul3A_806, %reduce_sum3A_807 [0] : vector<1000x128xf32> to vector<128xf32>
    %broadcast_in_dim3A_809 = vector.shape_cast %reduce_sum3A_808 : vector<128xf32> to vector<1x128xf32>
    %add3A_810 = arith.addf %add3A_773, %broadcast_in_dim3A_809 : vector<1x128xf32>
    %get3A_811 = arith.constant 5000 : index
    %get3A_812 = arith.constant 0 : index
    %get3A_813 = vector.load %arg18[%get3A_811, %get3A_812] : memref<10000x256xf32, #tpu.memory_space<vmem>>, vector<1000x256xf32>
    %sub3A_814 = vector.broadcast %mul3A_611 : vector<1x256xf32> to vector<1000x256xf32>
    %sub3A_815 = arith.subf %get3A_813, %sub3A_814 : vector<1000x256xf32>
    %mul3A_816 = vector.broadcast %mul3A_622 : vector<1x256xf32> to vector<1000x256xf32>
    %mul3A_817 = arith.mulf %sub3A_815, %mul3A_816 : vector<1000x256xf32>
    %get3A_818 = arith.constant 0 : index
    %get3A_819 = vector.load %arg6[%get3A_818] : memref<256xf32, #tpu.memory_space<vmem>>, vector<256xf32>
    %broadcast_in_dim3A_820 = vector.shape_cast %get3A_819 : vector<256xf32> to vector<1x256xf32>
    %add3A_821 = vector.broadcast %broadcast_in_dim3A_820 : vector<1x256xf32> to vector<1000x256xf32>
    %add3A_822 = arith.addf %mul3A_817, %add3A_821 : vector<1000x256xf32>
    %max3A_823 = arith.constant 0.000000e+00 : f32
    %max3A_824 = vector.broadcast %max3A_823 : f32 to vector<1000x256xf32>
    %max3A_825 = arith.maximumf %add3A_822, %max3A_824 : vector<1000x256xf32>
    %get3A_826 = arith.constant 0 : index
    %get3A_827 = arith.constant 0 : index
    %get3A_828 = vector.load %arg7[%get3A_826, %get3A_827] : memref<128x256xf32, #tpu.memory_space<vmem>>, vector<128x256xf32>
    %dot_general3A_829 = arith.constant dense<0.000000e+00> : vector<1000x128xf32>
    %dot_general3A_830 = tpu.matmul %max3A_825, %get3A_828, %dot_general3A_829 {dimension_numbers = #tpu.dot_dimension_numbers<[1], [1], [0], [0], [0, 0, 1, 0], [], []>, transpose_lhs_hint = false} : vector<1000x256xf32>, vector<128x256xf32>, vector<1000x128xf32> -> vector<1000x128xf32>
    %get3A_831 = arith.constant 0 : index
    %get3A_832 = vector.load %arg8[%get3A_831] : memref<128xf32, #tpu.memory_space<vmem>>, vector<128xf32>
    %broadcast_in_dim3A_833 = vector.shape_cast %get3A_832 : vector<128xf32> to vector<1x128xf32>
    %add3A_834 = vector.broadcast %broadcast_in_dim3A_833 : vector<1x128xf32> to vector<1000x128xf32>
    %add3A_835 = arith.addf %dot_general3A_830, %add3A_834 : vector<1000x128xf32>
    %swap3A_836 = arith.constant 5000 : index
    %swap3A_837 = arith.constant 0 : index
    %swap3A_838 = vector.load %arg19[%swap3A_836, %swap3A_837] : memref<10000x128xf32, #tpu.memory_space<vmem>>, vector<1000x128xf32>
    tpu.vector_store %arg19[%swap3A_836, %swap3A_837], %add3A_835 {strides = array<i32>} : memref<10000x128xf32, #tpu.memory_space<vmem>>, vector<1000x128xf32>,
    %reduce_sum3A_839 = arith.constant dense<0.000000e+00> : vector<128xf32>
    %reduce_sum3A_840 = vector.multi_reduction <add>, %add3A_835, %reduce_sum3A_839 [0] : vector<1000x128xf32> to vector<128xf32>
    %broadcast_in_dim3A_841 = vector.shape_cast %reduce_sum3A_840 : vector<128xf32> to vector<1x128xf32>
    %add3A_842 = arith.addf %add3A_805, %broadcast_in_dim3A_841 : vector<1x128xf32>
    %mul3A_843 = arith.mulf %add3A_835, %add3A_835 : vector<1000x128xf32>
    %reduce_sum3A_844 = arith.constant dense<0.000000e+00> : vector<128xf32>
    %reduce_sum3A_845 = vector.multi_reduction <add>, %mul3A_843, %reduce_sum3A_844 [0] : vector<1000x128xf32> to vector<128xf32>
    %broadcast_in_dim3A_846 = vector.shape_cast %reduce_sum3A_845 : vector<128xf32> to vector<1x128xf32>
    %add3A_847 = arith.addf %add3A_810, %broadcast_in_dim3A_846 : vector<1x128xf32>
    %get3A_848 = arith.constant 6000 : index
    %get3A_849 = arith.constant 0 : index
    %get3A_850 = vector.load %arg18[%get3A_848, %get3A_849] : memref<10000x256xf32, #tpu.memory_space<vmem>>, vector<1000x256xf32>
    %sub3A_851 = vector.broadcast %mul3A_611 : vector<1x256xf32> to vector<1000x256xf32>
    %sub3A_852 = arith.subf %get3A_850, %sub3A_851 : vector<1000x256xf32>
    %mul3A_853 = vector.broadcast %mul3A_622 : vector<1x256xf32> to vector<1000x256xf32>
    %mul3A_854 = arith.mulf %sub3A_852, %mul3A_853 : vector<1000x256xf32>
    %get3A_855 = arith.constant 0 : index
    %get3A_856 = vector.load %arg6[%get3A_855] : memref<256xf32, #tpu.memory_space<vmem>>, vector<256xf32>
    %broadcast_in_dim3A_857 = vector.shape_cast %get3A_856 : vector<256xf32> to vector<1x256xf32>
    %add3A_858 = vector.broadcast %broadcast_in_dim3A_857 : vector<1x256xf32> to vector<1000x256xf32>
    %add3A_859 = arith.addf %mul3A_854, %add3A_858 : vector<1000x256xf32>
    %max3A_860 = arith.constant 0.000000e+00 : f32
    %max3A_861 = vector.broadcast %max3A_860 : f32 to vector<1000x256xf32>
    %max3A_862 = arith.maximumf %add3A_859, %max3A_861 : vector<1000x256xf32>
    %get3A_863 = arith.constant 0 : index
    %get3A_864 = arith.constant 0 : index
    %get3A_865 = vector.load %arg7[%get3A_863, %get3A_864] : memref<128x256xf32, #tpu.memory_space<vmem>>, vector<128x256xf32>
    %dot_general3A_866 = arith.constant dense<0.000000e+00> : vector<1000x128xf32>
    %dot_general3A_867 = tpu.matmul %max3A_862, %get3A_865, %dot_general3A_866 {dimension_numbers = #tpu.dot_dimension_numbers<[1], [1], [0], [0], [0, 0, 1, 0], [], []>, transpose_lhs_hint = false} : vector<1000x256xf32>, vector<128x256xf32>, vector<1000x128xf32> -> vector<1000x128xf32>
    %get3A_868 = arith.constant 0 : index
    %get3A_869 = vector.load %arg8[%get3A_868] : memref<128xf32, #tpu.memory_space<vmem>>, vector<128xf32>
    %broadcast_in_dim3A_870 = vector.shape_cast %get3A_869 : vector<128xf32> to vector<1x128xf32>
    %add3A_871 = vector.broadcast %broadcast_in_dim3A_870 : vector<1x128xf32> to vector<1000x128xf32>
    %add3A_872 = arith.addf %dot_general3A_867, %add3A_871 : vector<1000x128xf32>
    %swap3A_873 = arith.constant 6000 : index
    %swap3A_874 = arith.constant 0 : index
    %swap3A_875 = vector.load %arg19[%swap3A_873, %swap3A_874] : memref<10000x128xf32, #tpu.memory_space<vmem>>, vector<1000x128xf32>
    tpu.vector_store %arg19[%swap3A_873, %swap3A_874], %add3A_872 {strides = array<i32>} : memref<10000x128xf32, #tpu.memory_space<vmem>>, vector<1000x128xf32>,
    %reduce_sum3A_876 = arith.constant dense<0.000000e+00> : vector<128xf32>
    %reduce_sum3A_877 = vector.multi_reduction <add>, %add3A_872, %reduce_sum3A_876 [0] : vector<1000x128xf32> to vector<128xf32>
    %broadcast_in_dim3A_878 = vector.shape_cast %reduce_sum3A_877 : vector<128xf32> to vector<1x128xf32>
    %add3A_879 = arith.addf %add3A_842, %broadcast_in_dim3A_878 : vector<1x128xf32>
    %mul3A_880 = arith.mulf %add3A_872, %add3A_872 : vector<1000x128xf32>
    %reduce_sum3A_881 = arith.constant dense<0.000000e+00> : vector<128xf32>
    %reduce_sum3A_882 = vector.multi_reduction <add>, %mul3A_880, %reduce_sum3A_881 [0] : vector<1000x128xf32> to vector<128xf32>
    %broadcast_in_dim3A_883 = vector.shape_cast %reduce_sum3A_882 : vector<128xf32> to vector<1x128xf32>
    %add3A_884 = arith.addf %add3A_847, %broadcast_in_dim3A_883 : vector<1x128xf32>
    %get3A_885 = arith.constant 7000 : index
    %get3A_886 = arith.constant 0 : index
    %get3A_887 = vector.load %arg18[%get3A_885, %get3A_886] : memref<10000x256xf32, #tpu.memory_space<vmem>>, vector<1000x256xf32>
    %sub3A_888 = vector.broadcast %mul3A_611 : vector<1x256xf32> to vector<1000x256xf32>
    %sub3A_889 = arith.subf %get3A_887, %sub3A_888 : vector<1000x256xf32>
    %mul3A_890 = vector.broadcast %mul3A_622 : vector<1x256xf32> to vector<1000x256xf32>
    %mul3A_891 = arith.mulf %sub3A_889, %mul3A_890 : vector<1000x256xf32>
    %get3A_892 = arith.constant 0 : index
    %get3A_893 = vector.load %arg6[%get3A_892] : memref<256xf32, #tpu.memory_space<vmem>>, vector<256xf32>
    %broadcast_in_dim3A_894 = vector.shape_cast %get3A_893 : vector<256xf32> to vector<1x256xf32>
    %add3A_895 = vector.broadcast %broadcast_in_dim3A_894 : vector<1x256xf32> to vector<1000x256xf32>
    %add3A_896 = arith.addf %mul3A_891, %add3A_895 : vector<1000x256xf32>
    %max3A_897 = arith.constant 0.000000e+00 : f32
    %max3A_898 = vector.broadcast %max3A_897 : f32 to vector<1000x256xf32>
    %max3A_899 = arith.maximumf %add3A_896, %max3A_898 : vector<1000x256xf32>
    %get3A_900 = arith.constant 0 : index
    %get3A_901 = arith.constant 0 : index
    %get3A_902 = vector.load %arg7[%get3A_900, %get3A_901] : memref<128x256xf32, #tpu.memory_space<vmem>>, vector<128x256xf32>
    %dot_general3A_903 = arith.constant dense<0.000000e+00> : vector<1000x128xf32>
    %dot_general3A_904 = tpu.matmul %max3A_899, %get3A_902, %dot_general3A_903 {dimension_numbers = #tpu.dot_dimension_numbers<[1], [1], [0], [0], [0, 0, 1, 0], [], []>, transpose_lhs_hint = false} : vector<1000x256xf32>, vector<128x256xf32>, vector<1000x128xf32> -> vector<1000x128xf32>
    %get3A_905 = arith.constant 0 : index
    %get3A_906 = vector.load %arg8[%get3A_905] : memref<128xf32, #tpu.memory_space<vmem>>, vector<128xf32>
    %broadcast_in_dim3A_907 = vector.shape_cast %get3A_906 : vector<128xf32> to vector<1x128xf32>
    %add3A_908 = vector.broadcast %broadcast_in_dim3A_907 : vector<1x128xf32> to vector<1000x128xf32>
    %add3A_909 = arith.addf %dot_general3A_904, %add3A_908 : vector<1000x128xf32>
    %swap3A_910 = arith.constant 7000 : index
    %swap3A_911 = arith.constant 0 : index
    %swap3A_912 = vector.load %arg19[%swap3A_910, %swap3A_911] : memref<10000x128xf32, #tpu.memory_space<vmem>>, vector<1000x128xf32>
    tpu.vector_store %arg19[%swap3A_910, %swap3A_911], %add3A_909 {strides = array<i32>} : memref<10000x128xf32, #tpu.memory_space<vmem>>, vector<1000x128xf32>,
    %reduce_sum3A_913 = arith.constant dense<0.000000e+00> : vector<128xf32>
    %reduce_sum3A_914 = vector.multi_reduction <add>, %add3A_909, %reduce_sum3A_913 [0] : vector<1000x128xf32> to vector<128xf32>
    %broadcast_in_dim3A_915 = vector.shape_cast %reduce_sum3A_914 : vector<128xf32> to vector<1x128xf32>
    %add3A_916 = arith.addf %add3A_879, %broadcast_in_dim3A_915 : vector<1x128xf32>
    %mul3A_917 = arith.mulf %add3A_909, %add3A_909 : vector<1000x128xf32>
    %reduce_sum3A_918 = arith.constant dense<0.000000e+00> : vector<128xf32>
    %reduce_sum3A_919 = vector.multi_reduction <add>, %mul3A_917, %reduce_sum3A_918 [0] : vector<1000x128xf32> to vector<128xf32>
    %broadcast_in_dim3A_920 = vector.shape_cast %reduce_sum3A_919 : vector<128xf32> to vector<1x128xf32>
    %add3A_921 = arith.addf %add3A_884, %broadcast_in_dim3A_920 : vector<1x128xf32>
    %get3A_922 = arith.constant 8000 : index
    %get3A_923 = arith.constant 0 : index
    %get3A_924 = vector.load %arg18[%get3A_922, %get3A_923] : memref<10000x256xf32, #tpu.memory_space<vmem>>, vector<1000x256xf32>
    %sub3A_925 = vector.broadcast %mul3A_611 : vector<1x256xf32> to vector<1000x256xf32>
    %sub3A_926 = arith.subf %get3A_924, %sub3A_925 : vector<1000x256xf32>
    %mul3A_927 = vector.broadcast %mul3A_622 : vector<1x256xf32> to vector<1000x256xf32>
    %mul3A_928 = arith.mulf %sub3A_926, %mul3A_927 : vector<1000x256xf32>
    %get3A_929 = arith.constant 0 : index
    %get3A_930 = vector.load %arg6[%get3A_929] : memref<256xf32, #tpu.memory_space<vmem>>, vector<256xf32>
    %broadcast_in_dim3A_931 = vector.shape_cast %get3A_930 : vector<256xf32> to vector<1x256xf32>
    %add3A_932 = vector.broadcast %broadcast_in_dim3A_931 : vector<1x256xf32> to vector<1000x256xf32>
    %add3A_933 = arith.addf %mul3A_928, %add3A_932 : vector<1000x256xf32>
    %max3A_934 = arith.constant 0.000000e+00 : f32
    %max3A_935 = vector.broadcast %max3A_934 : f32 to vector<1000x256xf32>
    %max3A_936 = arith.maximumf %add3A_933, %max3A_935 : vector<1000x256xf32>
    %get3A_937 = arith.constant 0 : index
    %get3A_938 = arith.constant 0 : index
    %get3A_939 = vector.load %arg7[%get3A_937, %get3A_938] : memref<128x256xf32, #tpu.memory_space<vmem>>, vector<128x256xf32>
    %dot_general3A_940 = arith.constant dense<0.000000e+00> : vector<1000x128xf32>
    %dot_general3A_941 = tpu.matmul %max3A_936, %get3A_939, %dot_general3A_940 {dimension_numbers = #tpu.dot_dimension_numbers<[1], [1], [0], [0], [0, 0, 1, 0], [], []>, transpose_lhs_hint = false} : vector<1000x256xf32>, vector<128x256xf32>, vector<1000x128xf32> -> vector<1000x128xf32>
    %get3A_942 = arith.constant 0 : index
    %get3A_943 = vector.load %arg8[%get3A_942] : memref<128xf32, #tpu.memory_space<vmem>>, vector<128xf32>
    %broadcast_in_dim3A_944 = vector.shape_cast %get3A_943 : vector<128xf32> to vector<1x128xf32>
    %add3A_945 = vector.broadcast %broadcast_in_dim3A_944 : vector<1x128xf32> to vector<1000x128xf32>
    %add3A_946 = arith.addf %dot_general3A_941, %add3A_945 : vector<1000x128xf32>
    %swap3A_947 = arith.constant 8000 : index
    %swap3A_948 = arith.constant 0 : index
    %swap3A_949 = vector.load %arg19[%swap3A_947, %swap3A_948] : memref<10000x128xf32, #tpu.memory_space<vmem>>, vector<1000x128xf32>
    tpu.vector_store %arg19[%swap3A_947, %swap3A_948], %add3A_946 {strides = array<i32>} : memref<10000x128xf32, #tpu.memory_space<vmem>>, vector<1000x128xf32>,
    %reduce_sum3A_950 = arith.constant dense<0.000000e+00> : vector<128xf32>
    %reduce_sum3A_951 = vector.multi_reduction <add>, %add3A_946, %reduce_sum3A_950 [0] : vector<1000x128xf32> to vector<128xf32>
    %broadcast_in_dim3A_952 = vector.shape_cast %reduce_sum3A_951 : vector<128xf32> to vector<1x128xf32>
    %add3A_953 = arith.addf %add3A_916, %broadcast_in_dim3A_952 : vector<1x128xf32>
    %mul3A_954 = arith.mulf %add3A_946, %add3A_946 : vector<1000x128xf32>
    %reduce_sum3A_955 = arith.constant dense<0.000000e+00> : vector<128xf32>
    %reduce_sum3A_956 = vector.multi_reduction <add>, %mul3A_954, %reduce_sum3A_955 [0] : vector<1000x128xf32> to vector<128xf32>
    %broadcast_in_dim3A_957 = vector.shape_cast %reduce_sum3A_956 : vector<128xf32> to vector<1x128xf32>
    %add3A_958 = arith.addf %add3A_921, %broadcast_in_dim3A_957 : vector<1x128xf32>
    %get3A_959 = arith.constant 9000 : index
    %get3A_960 = arith.constant 0 : index
    %get3A_961 = vector.load %arg18[%get3A_959, %get3A_960] : memref<10000x256xf32, #tpu.memory_space<vmem>>, vector<1000x256xf32>
    %sub3A_962 = vector.broadcast %mul3A_611 : vector<1x256xf32> to vector<1000x256xf32>
    %sub3A_963 = arith.subf %get3A_961, %sub3A_962 : vector<1000x256xf32>
    %mul3A_964 = vector.broadcast %mul3A_622 : vector<1x256xf32> to vector<1000x256xf32>
    %mul3A_965 = arith.mulf %sub3A_963, %mul3A_964 : vector<1000x256xf32>
    %get3A_966 = arith.constant 0 : index
    %get3A_967 = vector.load %arg6[%get3A_966] : memref<256xf32, #tpu.memory_space<vmem>>, vector<256xf32>
    %broadcast_in_dim3A_968 = vector.shape_cast %get3A_967 : vector<256xf32> to vector<1x256xf32>
    %add3A_969 = vector.broadcast %broadcast_in_dim3A_968 : vector<1x256xf32> to vector<1000x256xf32>
    %add3A_970 = arith.addf %mul3A_965, %add3A_969 : vector<1000x256xf32>
    %max3A_971 = arith.constant 0.000000e+00 : f32
    %max3A_972 = vector.broadcast %max3A_971 : f32 to vector<1000x256xf32>
    %max3A_973 = arith.maximumf %add3A_970, %max3A_972 : vector<1000x256xf32>
    %get3A_974 = arith.constant 0 : index
    %get3A_975 = arith.constant 0 : index
    %get3A_976 = vector.load %arg7[%get3A_974, %get3A_975] : memref<128x256xf32, #tpu.memory_space<vmem>>, vector<128x256xf32>
    %dot_general3A_977 = arith.constant dense<0.000000e+00> : vector<1000x128xf32>
    %dot_general3A_978 = tpu.matmul %max3A_973, %get3A_976, %dot_general3A_977 {dimension_numbers = #tpu.dot_dimension_numbers<[1], [1], [0], [0], [0, 0, 1, 0], [], []>, transpose_lhs_hint = false} : vector<1000x256xf32>, vector<128x256xf32>, vector<1000x128xf32> -> vector<1000x128xf32>
    %get3A_979 = arith.constant 0 : index
    %get3A_980 = vector.load %arg8[%get3A_979] : memref<128xf32, #tpu.memory_space<vmem>>, vector<128xf32>
    %broadcast_in_dim3A_981 = vector.shape_cast %get3A_980 : vector<128xf32> to vector<1x128xf32>
    %add3A_982 = vector.broadcast %broadcast_in_dim3A_981 : vector<1x128xf32> to vector<1000x128xf32>
    %add3A_983 = arith.addf %dot_general3A_978, %add3A_982 : vector<1000x128xf32>
    %swap3A_984 = arith.constant 9000 : index
    %swap3A_985 = arith.constant 0 : index
    %swap3A_986 = vector.load %arg19[%swap3A_984, %swap3A_985] : memref<10000x128xf32, #tpu.memory_space<vmem>>, vector<1000x128xf32>
    tpu.vector_store %arg19[%swap3A_984, %swap3A_985], %add3A_983 {strides = array<i32>} : memref<10000x128xf32, #tpu.memory_space<vmem>>, vector<1000x128xf32>,
    %reduce_sum3A_987 = arith.constant dense<0.000000e+00> : vector<128xf32>
    %reduce_sum3A_988 = vector.multi_reduction <add>, %add3A_983, %reduce_sum3A_987 [0] : vector<1000x128xf32> to vector<128xf32>
    %broadcast_in_dim3A_989 = vector.shape_cast %reduce_sum3A_988 : vector<128xf32> to vector<1x128xf32>
    %add3A_990 = arith.addf %add3A_953, %broadcast_in_dim3A_989 : vector<1x128xf32>
    %mul3A_991 = arith.mulf %add3A_983, %add3A_983 : vector<1000x128xf32>
    %reduce_sum3A_992 = arith.constant dense<0.000000e+00> : vector<128xf32>
    %reduce_sum3A_993 = vector.multi_reduction <add>, %mul3A_991, %reduce_sum3A_992 [0] : vector<1000x128xf32> to vector<128xf32>
    %broadcast_in_dim3A_994 = vector.shape_cast %reduce_sum3A_993 : vector<128xf32> to vector<1x128xf32>
    %add3A_995 = arith.addf %add3A_958, %broadcast_in_dim3A_994 : vector<1x128xf32>
    %mul3A_996 = arith.constant 9.99999974E-5 : f32
    %mul3A_997 = vector.broadcast %mul3A_996 : f32 to vector<1x128xf32>
    %mul3A_998 = arith.mulf %add3A_990, %mul3A_997 : vector<1x128xf32>
    %mul3A_999 = arith.constant 9.99999974E-5 : f32
    %mul3A_1000 = vector.broadcast %mul3A_999 : f32 to vector<1x128xf32>
    %mul3A_1001 = arith.mulf %add3A_995, %mul3A_1000 : vector<1x128xf32>
    %mul3A_1002 = arith.mulf %mul3A_998, %mul3A_998 : vector<1x128xf32>
    %sub3A_1003 = arith.subf %mul3A_1001, %mul3A_1002 : vector<1x128xf32>
    %add3A_1004 = arith.constant 9.99999974E-6 : f32
    %add3A_1005 = vector.broadcast %add3A_1004 : f32 to vector<1x128xf32>
    %add3A_1006 = arith.addf %sub3A_1003, %add3A_1005 : vector<1x128xf32>
    %rsqrt3A_1007 = math.rsqrt %add3A_1006 : vector<1x128xf32>
    %get3A_1008 = arith.constant 0 : index
    %get3A_1009 = vector.load %arg9[%get3A_1008] : memref<128xf32, #tpu.memory_space<vmem>>, vector<128xf32>
    %broadcast_in_dim3A_1010 = vector.shape_cast %get3A_1009 : vector<128xf32> to vector<1x128xf32>
    %mul3A_1011 = arith.mulf %rsqrt3A_1007, %broadcast_in_dim3A_1010 : vector<1x128xf32>
    %get3A_1012 = arith.constant 0 : index
    %get3A_1013 = arith.constant 0 : index
    %get3A_1014 = vector.load %arg19[%get3A_1012, %get3A_1013] : memref<10000x128xf32, #tpu.memory_space<vmem>>, vector<10000x128xf32>
    %sub3A_1015 = vector.broadcast %mul3A_998 : vector<1x128xf32> to vector<10000x128xf32>
    %sub3A_1016 = arith.subf %get3A_1014, %sub3A_1015 : vector<10000x128xf32>
    %mul3A_1017 = vector.broadcast %mul3A_1011 : vector<1x128xf32> to vector<10000x128xf32>
    %mul3A_1018 = arith.mulf %sub3A_1016, %mul3A_1017 : vector<10000x128xf32>
    %get3A_1019 = arith.constant 0 : index
    %get3A_1020 = vector.load %arg10[%get3A_1019] : memref<128xf32, #tpu.memory_space<vmem>>, vector<128xf32>
    %broadcast_in_dim3A_1021 = vector.shape_cast %get3A_1020 : vector<128xf32> to vector<1x128xf32>
    %add3A_1022 = vector.broadcast %broadcast_in_dim3A_1021 : vector<1x128xf32> to vector<10000x128xf32>
    %add3A_1023 = arith.addf %mul3A_1018, %add3A_1022 : vector<10000x128xf32>
    %max3A_1024 = arith.constant 0.000000e+00 : f32
    %max3A_1025 = vector.broadcast %max3A_1024 : f32 to vector<10000x128xf32>
    %max3A_1026 = arith.maximumf %add3A_1023, %max3A_1025 : vector<10000x128xf32>
    %swap3A_1027 = arith.constant 0 : index
    %swap3A_1028 = arith.constant 0 : index
    %swap3A_1029 = vector.load %arg11[%swap3A_1027, %swap3A_1028] : memref<10000x128xf32, #tpu.memory_space<vmem>>, vector<10000x128xf32>
    tpu.vector_store %arg11[%swap3A_1027, %swap3A_1028], %max3A_1026 {strides = array<i32>} : memref<10000x128xf32, #tpu.memory_space<vmem>>, vector<10000x128xf32>,
    return
  }
}

</mosaic_0001>

<sc_bundles>
// kernel: kernel.4.cloned.1.call-start
scs
__scs_entry_jumppad:
0x0: {  	(pc) =	sbr.rel $0x88, $3  }
0x1: {  	(tag) =	ssettag $0x0;
	lr =	simm.s32 $0x1  }
0x2: {  	[smem:$0x3F96] =	sst lr;
	_ =	strace $0xD0000000  }
0x3: {  	_ = 	snop  }
0x4: {  	_ = 	snop  }
0x5: {  	_ = 	snop  }
0x6: {  	_ = 	snop  }
0x7: {  	_ = 	snop  }
__scs_overlays_trampoline_lowered:
0x8: {  	[smem:$0x3FA5] =	sst s0  }
0x9: {  	[smem:$0x3FA6] =	sst s1  }
0xa: {  	[smem:$0x3FA7] =	sst s2  }
0xb: {  	[smem:$0x3FA8] =	sst s3  }
0xc: {  	[smem:$0x3FA9] =	sst s4  }
0xd: {  	[smem:$0x3FAA] =	sst s5  }
0xe: {  	[smem:$0x3FAB] =	sst s6  }
0xf: {  	[smem:$0x3FAC] =	sst s7  }
0x10: {  	[smem:$0x3FAD] =	sst s8  }
0x11: {  	[smem:$0x3FAE] =	sst s9;
	s0 =	simm.s32 @!p0 $0x0  }
0x12: {  	s1 =	sld [smem:$0x3F94];
	s0 =	simm.s32 @p0 $0x1  }
0x13: {  	[smem:$0x3FAF] =	sst s0;
	s0 =	simm.s32 @!p1 $0x0  }
0x14: {  	s2 =	sld [smem:$0x3F93];
	s0 =	simm.s32 @p1 $0x1  }
0x15: {  	[smem:$0x3FB0] =	sst s0;
	s0 =	simm.s32 @!p2 $0x0  }
0x16: {  	s3 =	sld [smem:$0x3FDB];
	s0 =	simm.s32 @p2 $0x1  }
0x17: {  	s4 =	simm.s32 $0x1BF5;
	[smem:$0x3FB2] =	sst s0  }
0x18: {  	s0 =	sld [smem:$0x3F95];
	_ =	swait.ge [sflag:s4], $0x0  }
0x19: {  	s7 =	sld [smem:$0x3F96]  }
0x1a: {  	s8 =	sadd.s32 $0xFFFFE003, lr  }
0x1b: {  	s9 =	sadd.s32 $0xFFFFFEF7, lr;
	s5 =	simm.s32 $0xFFFFFFFF;
	p2 =	slt.u32 s8, $0xFFFFF086  }
0x1c: {  	p1 =	slt.u32 s9, $0xF7A;
	s5 =	simm.s32 @!p2 $0x0  }
0x1d: {  	s5 =	simm.s32 @p1 $0x1;
	p0 =	seq.s32 s7, s2  }
0x1e: {  	s7 =	smul.u32 @!p0 $0xF7A, s2;
	p2 =	seq.s32 @!p0 s5, $0x0  }
0x1f: {  	s9 =	smul.u32 $0xF7A, s1;
	s8 =	simm.s32 @!p0 $0x1BF5;
	p2 =	por !p2, p0  }
0x20: {  	[sflag:s8] =	ssyncset.s32 @!p0 $0xFFFFF086;
	s6 =	sadd.s32 @!p0 s3, s7;
	s7 =	simm.s32 @!p0 $0x108  }
0x21: {  	s3 =	sadd.s32 s3, s9;
	s6 =	sadd.s32 @!p0 $0x88, s6;
	s7 =	simm.s32 @p2 $0x1082  }
0x22: {  	[simem:s7], [sflag:s8] =	dma.local @!p0 [hbm:s6], $0xF7A  }
0x23: {  	s9 =	sor.u32 $0xD0000000, s2;
	s6 =	simm.s32 $0x108;
	_ =	swait.ge @!p0 [sflag:s8], $0x0  }
0x24: {  	s3 =	sadd.s32 $0x88, s3;
	s6 =	simm.s32 @!p1 $0x1082;
	[sflag:s4] =	ssyncset.s32 $0xFFFFF086  }
0x25: {  	[simem:s6], [sflag:s4] =	dma.local [hbm:s3], $0xF7A  }
0x26: {  	[smem:$0x3F96] =	sst s1;
	(tag) =	ssettag s2;
	_ =	strace s9  }
0x27: {  	s1 =	sld [smem:$0x3FA6]  }
0x28: {  	s2 =	sld [smem:$0x3FA7]  }
0x29: {  	s4 =	sld [smem:$0x3FA9]  }
0x2a: {  	p0 =	seq.s32 s5, $0x0;
	s5 =	sld [smem:$0x3FAA]  }
0x2b: {  	s6 =	sld [smem:$0x3FAB]  }
0x2c: {  	s7 =	sld [smem:$0x3FAC]  }
0x2d: {  	s3 =	simm.s32 $0x108;
	s8 =	sld [smem:$0x3FAD]  }
0x2e: {  	s3 =	simm.s32 @!p0 $0x1082;
	s9 =	sld [smem:$0x3FAE]  }
0x2f: {  	lr =	sadd.s32 s0, s3;
	s0 =	sld [smem:$0x3FA5]  }
0x30: {  	s3 =	sld [smem:$0x3FA8]  }
0x31: {  	[smem:$0x3FB1] =	sst s10  }
0x32: {  	s10 =	sld [smem:$0x3FAF];
	_ =	sdelay $0x3  }
0x33: {  	p0 =	seq.s32 s10, $0x1;
	s10 =	sld [smem:$0x3FB1];
	_ =	sdelay $0x3  }
0x34: {  	[smem:$0x3FB1] =	sst s10  }
0x35: {  	s10 =	sld [smem:$0x3FB0];
	_ =	sdelay $0x3  }
0x36: {  	p1 =	seq.s32 s10, $0x1;
	s10 =	sld [smem:$0x3FB1];
	_ =	sdelay $0x3  }
0x37: {  	[smem:$0x3FB1] =	sst s10  }
0x38: {  	s10 =	sld [smem:$0x3FB2]  }
0x39: {  	_ = 	snop;
	(pc) =	sbr.ind lr, $3  }
0x3a: {  	_ = 	snop  }
0x3b: {  	_ = 	snop  }
0x3c: {  	p2 =	seq.s32 s10, $0x1;
	s10 =	sld [smem:$0x3FB1]  }
0x3d: {  	_ =	shalt  }
0x3e: {  	_ =	shalt  }
0x3f: {  	_ =	shalt  }
0x40: {  	_ =	shalt  }
0x41: {  	_ =	shalt  }
0x42: {  	_ =	shalt  }
0x43: {  	_ =	shalt  }
0x44: {  	_ =	shalt  }
0x45: {  	_ =	shalt  }
0x46: {  	_ =	shalt  }
0x47: {  	_ =	shalt  }
0x48: {  	_ =	shalt  }
0x49: {  	_ =	shalt  }
0x4a: {  	_ =	shalt  }
0x4b: {  	_ =	shalt  }
0x4c: {  	_ =	shalt  }
0x4d: {  	_ =	shalt  }
0x4e: {  	_ =	shalt  }
0x4f: {  	_ =	shalt  }
0x50: {  	_ =	shalt  }
0x51: {  	_ =	shalt  }
0x52: {  	_ =	shalt  }
0x53: {  	_ =	shalt  }
0x54: {  	_ =	shalt  }
0x55: {  	_ =	shalt  }
0x56: {  	_ =	shalt  }
0x57: {  	_ =	shalt  }
0x58: {  	_ =	shalt  }
0x59: {  	_ =	shalt  }
0x5a: {  	_ =	shalt  }
0x5b: {  	_ =	shalt  }
0x5c: {  	_ =	shalt  }
0x5d: {  	_ =	shalt  }
0x5e: {  	_ =	shalt  }
0x5f: {  	_ =	shalt  }
0x60: {  	_ =	shalt  }
0x61: {  	_ =	shalt  }
0x62: {  	_ =	shalt  }
0x63: {  	_ =	shalt  }
0x64: {  	_ =	shalt  }
0x65: {  	_ =	shalt  }
0x66: {  	_ =	shalt  }
0x67: {  	_ =	shalt  }
0x68: {  	_ =	shalt  }
0x69: {  	_ =	shalt  }
0x6a: {  	_ =	shalt  }
0x6b: {  	_ =	shalt  }
0x6c: {  	_ =	shalt  }
0x6d: {  	_ =	shalt  }
0x6e: {  	_ =	shalt  }
0x6f: {  	_ =	shalt  }
0x70: {  	_ =	shalt  }
0x71: {  	_ =	shalt  }
0x72: {  	_ =	shalt  }
0x73: {  	_ =	shalt  }
0x74: {  	_ =	shalt  }
0x75: {  	_ =	shalt  }
0x76: {  	_ =	shalt  }
0x77: {  	_ =	shalt  }
0x78: {  	_ =	shalt  }
0x79: {  	_ =	shalt  }
0x7a: {  	_ =	shalt  }
0x7b: {  	_ =	shalt  }
0x7c: {  	_ =	shalt  }
0x7d: {  	_ =	shalt  }
0x7e: {  	_ =	shalt  }
0x7f: {  	_ =	shalt  }
0x80: {  	_ =	shalt  }
0x81: {  	_ =	shalt  }
0x82: {  	_ =	shalt  }
0x83: {  	_ =	shalt  }
0x84: {  	_ =	shalt  }
0x85: {  	_ =	shalt  }
0x86: {  	_ =	shalt  }
0x87: {  	_ =	shalt  }
.Lfunc_end0:
.L_simem_size_0:
called_computation_lowered:
.L_overlay_start_0:
0x88: {  	s2 =	sld [smem:$0x3FD9]  }
0x89: {  	s3 =	sld [smem:$0x3FFE];
	_ =	sdelay $0x1  }
0x8a: {  	s1 =	srdreg.scid  }
0x8b: {  	s0 =	sand.u32 $0x1, s1  }
0x8c: {  	s17 =	sshll.u32 s0, $0xA;
	s2 =	sadd.s32 s3, s2  }
0x8d: {  	s2 =	sadd.s32 s2, s17  }
0x8e: {  	[smem:$0x3FBD] =	sst s2  }
0x8f: {  	_ = 	snop  }
0x90: {  	s2 =	sld [smem:$0x3FC9]  }
0x91: {  	s18 =	sld [smem:$0x3FD0];
	(tm) =	ssettm $0x1  }
0x92: {  	s4 =	sld [smem:$0x3FFB];
	_ =	sdelay $0x3  }
0x93: {  	_ =	strace s4  }
0x94: {  	s4 =	sld [smem:$0x3FFC];
	_ =	sdelay $0x3  }
0x95: {  	_ =	strace s4  }
0x96: {  	s4 =	sld [smem:$0x3FFD];
	_ =	sdelay $0x3  }
0x97: {  	_ =	strace s4  }
0x98: {  	_ =	strace $0x8FFFFFFF  }
0x99: {  	s19 =	sld [smem:$0x3FDB];
	_ =	sdelay $0x1  }
0x9a: {  	s5 =	simm.s32 $_scs_section_size  }
0x9b: {  	s6 =	simm.s32 $_size__tile_overlayer_lowered;
	s7 =	simm.s32 $_tile_overlayer_lowered  }
0x9c: {  	s22 =	simm.s32 $0x1BFF;
	s21 =	sshll.u32 s7, $0x1;
	s4 =	sadd.s32 s5, s19  }
0x9d: {  	s8 =	simm.s32 $0x0;
	s20 =	sshll.u32 s6, $0x1;
	s6 =	sadd.s32 s21, s4  }
0x9e: {  	[timem:s8], [sflag:s22] =	dma.local [hbm:s6], s20  }
0x9f: {  	_ =	swait.ge [sflag:s22], s20  }
0xa0: {  	s5 =	ssub.s32 $0x0, s20;
	[sflag:s22] =	ssyncset.done $0x0  }
0xa1: {  	[sflag:s22] =	ssyncadd.s32 s5;
	_ =	sdelay $0x1  }
0xa2: {  	s23 =	simm.s32 $0x1B8B  }
0xa3: {  	_ =	swait.ge [sflag:s23], $0x1  }
0xa4: {  	[sflag:s23] =	ssyncset.done $0x0  }
0xa5: {  	s25 =	simm.s32 $0x1B8E;
	s24 =	sld [smem:$0x3FFE];
	[sflag:s23] =	ssyncadd.s32 $0xFFFFFFFF  }
0xa6: {  	s26 =	simm.s32 $execute0_lowered;
	[smem:$0x3FD2] =	sst s25  }
0xa7: {  	s6 =	sshll.u32 s26, $0x1;
	_ =	strace $0x80000046;
	[dreg:$0x1] =	wrdreg $0xFFFFFFFF  }
0xa8: {  	s28 =	simm.s32 $_size_execute0_lowered;
	s4 =	sadd.s32 s4, s6;
	[dreg:$0x0] =	wrdreg $0x0  }
0xa9: {  	s6 =	sshll.u32 s28, $0x1;
	[dreg:$0x2] =	wrdreg s4  }
0xaa: {  	[dreg:$0x3] =	wrdreg s6  }
0xab: {  	[dreg:$0x4] =	wrdreg $0xC0  }
0xac: {  	_ =	task [dreg:s8], $0x5FFFF  }
0xad: {  	[dreg:$0x1] =	wrdreg $0xFFFFFFFF  }
0xae: {  	[dreg:$0x0] =	wrdreg $0x60  }
0xaf: {  	[dreg:$0x2] =	wrdreg s18  }
0xb0: {  	[dreg:$0x3] =	wrdreg s2  }
0xb1: {  	[dreg:$0x4] =	wrdreg s24  }
0xb2: {  	[dreg:$0x5] =	wrdreg $0xBF000  }
0xb3: {  	[dreg:$0x6] =	wrdreg $0x9  }
0xb4: {  	_ =	task.clear_ibuf [dreg:s8], $0x7FFFF;
	_ =	strace $0x90000046  }
0xb5: {  	s29 =	simm.s32 $0x9;
	_ =	strace $0x80000048  }
0xb6: {  	_ =	swait.ge [sflag:s29], $0x1  }
0xb7: {  	[sflag:s29] =	ssyncadd.s32 $0xFFFFFFFF  }
0xb8: {  	_ =	strace $0x90000048  }
0xb9: {  	_ =	sfence  }
0xba: {  	s30 =	sld [smem:$0x0];
	_ =	sdelay $0x2  }
0xbb: {  	s31 =	sshll.u32 s1, $0xD;
	s1 =	sshrl.u32 s1, $0x2  }
0xbc: {  	s3 =	sand.u32 $0x4000, s31;
	s1 =	sadd.s32 s1, s30  }
0xbd: {  	s0 =	sor.u32 s3, s0;
	s1 =	sshll.u32 s1, $0x11  }
0xbe: {  	s0 =	sor.u32 s1, s0  }
0xbf: {  	s0 =	sadd.s32 $0x8F2B, s0  }
0xc0: {  	[sflag:s0] =	ssyncadd.remote.s32 $0x1  }
0xc1: {  	_ =	sfence.sel $0xFFFF  }
0xc2: {  	[dreg:$0x0] =	wrdreg $0xFFFFFFFF;
	(pc) =	sbr.abs _section_cstart, $3  }
0xc3: {  	[dreg:$0x1] =	wrdreg $0xFFFFFFFF  }
0xc4: {  	_ =	task.clear_ibuf [dreg:s8], $0x2FFFF;
	_ =	strace $0x9FFFFFFF  }
0xc5: {  	(tm) =	ssettm $0x7FFFFFFF  }
tec
execute0_lowered:
.L_overlay_start_1:
0x0: {  	(tag) =	ssettag $0x1  }
0x1: {  	s6 =	rddreg [dreg:$0x0]  }
0x2: {  	s1 =	rddreg [dreg:$0x1]  }
0x3: {  	s7 =	rddreg [dreg:$0x2]  }
0x4: {  	s2 =	rddreg [dreg:$0x3]  }
0x5: {  	s3 =	srdreg.scid;
	s0 =	rddreg [dreg:$0x4];
	s4 =	simm.s32 $0x0  }
0x6: {  	s13 =	simm.s32 $0x2780;
	s14 =	simm.s32 $0x70;
	s15 =	simm.s32 $0x4F00  }
0x7: {  	s16 =	simm.s32 $0x8700;
	s17 =	simm.s32 $0x1;
	s18 =	simm.s32 $0x2  }
0x8: {  	s19 =	simm.s32 $0x20;
	s20 =	simm.s32 $0x26F0;
	s21 =	simm.s32 $0x4E00  }
0x9: {  	s22 =	simm.s32 $0x4E70;
	s8 =	sand.u32 $0x1, s3;
	s3 =	stileid.u32  }
0xa: {  	s23 =	simm.s32 $0x0;
	[smem:$0x7FF] =	sst s4;
	s9 =	smul.u32 $0x140000, s8  }
0xb: {  	s5 =	sadd.s32 $0x1E00, s7;
	s10 =	smul.u32 $0x14000, s3;
	s11 =	sshll.u32 s8, $0x4  }
0xc: {  	_ =	strace $0x80000047;
	s8 =	ssub.s32 $0x2, s8;
	s12 =	smul.u32 $0x50000, s3  }
0xd: {  	s31 =	sshll.u32 s3, $0x6;
	s11 =	sor.u32 s3, s11;
	s28 =	sshrl.u32 s8, $0x1  }
0xe: {  	s9 =	sadd.s32 s10, s9;
	s26 =	smul.u32 $0x2710, s11;
	s30 =	sshrl.u32 s12, $0x2  }
0xf: {  	s11 =	ssub.s32 s8, s28;
	s9 =	sshrl.u32 s9, $0x3;
	s12 =	sadd.s32 s30, s2  }
0x10: {  	s10 =	smax.u32 s11, $0x1;
	s9 =	sadd.s32 s9, s7;
	s29 =	sshrl.u32 s26, $0x3  }
0x11: {  	s7 =	sor.u32 $0x1C03, s31;
	s11 =	sshrl.u32 s12, $0x3;
	s6 =	sadd.s32 s6, s29  }
0x12: {  	s12 =	simm.s32 $0x3;
	s9 =	sadd.s32 $0x4600, s9;
	s8 =	sadd.s32 $0x9C40, s6  }
.LBB2_1:
0x13: {  	[spmem:s11], [sflag:s7] =	dma.local [hbm:s5], $0x2800  }
0x14: {  	_ =	swait.ge [sflag:s12], $0x2800  }
0x15: {  	[sflag:s12] =	ssyncset.done $0x0  }
0x16: {  	[sflag:s12] =	ssyncadd.s32 $0xFFFFD800  }
0x17: {  	[tilespmem:s4], [sflag:$0x3] =	stream.linear.gather [hbm4b:s6+s4], $0x2710, $0x38;
	[tilespmem:$0x1FF00] =	vst v63  }
0x18: {  	_ =	swait.ge [sflag:s12], $0x2710  }
0x19: {  	[sflag:s12] =	ssyncset.done $0x0  }
0x1a: {  	[sflag:s12] =	ssyncadd.s32 $0xFFFFD8F0  }
0x1b: {  	[tilespmem:s13], [sflag:$0x3] =	stream.linear.gather [hbm4b:s8+s4], $0x2710, $0x38;
	[tilespmem:$0x1FF00] =	vst v63  }
0x1c: {  	_ =	swait.ge [sflag:s12], $0x2710  }
0x1d: {  	[sflag:s12] =	ssyncset.done $0x0  }
0x1e: {  	[sflag:s12] =	ssyncadd.s32 $0xFFFFD8F0  }
0x1f: {  	[bflag:$0x0] =	sbarrier.arrive $0xFFFF  }
0x20: {  	[tilespmem:s15], [sflag:$0x1] =	stream.indirect.gather [hbm4b:s1+s14], $0x80, s4, s14, $0xb8;
	[tilespmem:$0x1FF00] =	vst v63  }
0x21: {  	s24 =	simm.s32 $0x70  }
0x22: {  	[tilespmem:s16], [sflag:$0x2] =	stream.indirect.gather [hbm4b:s1+s14], $0x80, s24, s14, $0xb8;
	[tilespmem:$0x1FF00] =	vst v63  }
0x23: {  	_ =	swait.ge [sflag:s17], $0x3800  }
0x24: {  	[sflag:s17] =	ssyncset.done $0x0  }
0x25: {  	s29 =	simm.s32 $0x2780;
	[sflag:s17] =	ssyncadd.s32 $0xFFFFC800  }
0x26: {  	[spmem:s2] =	stream.indirect.scatter.add.f32 [tilespmem:s15], [sflag:$0x3], $0x80, s29, s14, $0xb8;
	[tilespmem:$0x1FF00] =	vst v63  }
0x27: {  	_ =	swait.ge [sflag:s12], $0x3800  }
0x28: {  	[sflag:s12] =	ssyncset.done $0x0  }
0x29: {  	s30 =	simm.s32 $0xE0;
	[sflag:s12] =	ssyncadd.s32 $0xFFFFC800  }
0x2a: {  	[tilespmem:s15], [sflag:$0x1] =	stream.indirect.gather [hbm4b:s1+s14], $0x80, s30, s14, $0xb8;
	[tilespmem:$0x1FF00] =	vst v63  }
0x2b: {  	_ =	swait.ge [sflag:s18], $0x3800  }
0x2c: {  	[sflag:s18] =	ssyncset.done $0x0  }
0x2d: {  	s31 =	simm.s32 $0x27F0;
	[sflag:s18] =	ssyncadd.s32 $0xFFFFC800  }
0x2e: {  	[spmem:s2] =	stream.indirect.scatter.add.f32 [tilespmem:s16], [sflag:$0x3], $0x80, s31, s14, $0xb8;
	[tilespmem:$0x1FF00] =	vst v63  }
0x2f: {  	_ =	swait.ge [sflag:s12], $0x3800  }
0x30: {  	s25 =	simm.s32 $0x700;
	s24 =	simm.s32 $0xE0;
	[sflag:s12] =	ssyncset.done $0x0  }
.LBB2_2:
0x31: {  	s26 =	sadd.s32 $0x70, s24  }
0x32: {  	[sflag:s12] =	ssyncadd.s32 $0xFFFFC800;
	s28 =	smov.u32 s25;
	s29 =	sadd.s32 $0x380, s25  }
0x33: {  	[tilespmem:s16], [sflag:$0x2] =	stream.indirect.gather [hbm4b:s1+s14], $0x80, s26, s14, $0xb8;
	[tilespmem:$0x1FF00] =	vst v63  }
0x34: {  	p0 =	sne.s32 s25, $0x9680;
	_ =	swait.ge [sflag:s17], $0x3800  }
0x35: {  	[sflag:s17] =	ssyncset.done $0x0  }
0x36: {  	s25 =	sadd.s32 $0x2780, s24;
	[sflag:s17] =	ssyncadd.s32 $0xFFFFC800  }
0x37: {  	[spmem:s2] =	stream.indirect.scatter.add.f32 [tilespmem:s15], [sflag:$0x3], $0x80, s25, s14, $0xb8;
	[tilespmem:$0x1FF00] =	vst v63  }
0x38: {  	_ =	swait.ge [sflag:s12], $0x3800  }
0x39: {  	[sflag:s12] =	ssyncset.done $0x0  }
0x3a: {  	s25 =	sadd.s32 $0xE0, s24;
	[sflag:s12] =	ssyncadd.s32 $0xFFFFC800  }
0x3b: {  	[tilespmem:s15], [sflag:$0x1] =	stream.indirect.gather [hbm4b:s1+s14], $0x80, s25, s14, $0xb8;
	[tilespmem:$0x1FF00] =	vst v63  }
0x3c: {  	_ =	swait.ge [sflag:s18], $0x3800  }
.Ltmp0:
0x3d: {  	[sflag:s18] =	ssyncset.done $0x0;
	(pc) =	sbr.rel @p0 .LBB2_2-.Ltmp0, $4  }
0x3e: {  	s24 =	sadd.s32 $0x27F0, s24;
	[sflag:s18] =	ssyncadd.s32 $0xFFFFC800  }
0x3f: {  	[spmem:s2] =	stream.indirect.scatter.add.f32 [tilespmem:s16], [sflag:$0x3], $0x80, s24, s14, $0xb8;
	[tilespmem:$0x1FF00] =	vst v63  }
0x40: {  	_ =	swait.ge [sflag:s12], $0x3800  }
0x41: {  	s25 =	smov.u32 s29;
	s24 =	sshra.s32 s28, $0x2;
	[sflag:s12] =	ssyncset.done $0x0  }
0x42: {  	s25 =	sadd.s32 $0x70, s24;
	[sflag:s12] =	ssyncadd.s32 $0xFFFFC800  }
0x43: {  	[tilespmem:s16], [sflag:$0x2] =	stream.indirect.gather [hbm4b:s1+s14], $0x80, s25, s14, $0xb8;
	[tilespmem:$0x1FF00] =	vst v63  }
0x44: {  	_ =	swait.ge [sflag:s17], $0x3800  }
0x45: {  	[sflag:s17] =	ssyncset.done $0x0  }
0x46: {  	s29 =	sadd.s32 $0x2780, s24;
	[sflag:s17] =	ssyncadd.s32 $0xFFFFC800  }
0x47: {  	[spmem:s2] =	stream.indirect.scatter.add.f32 [tilespmem:s15], [sflag:$0x3], $0x80, s29, s14, $0xb8;
	[tilespmem:$0x1FF00] =	vst v63  }
0x48: {  	_ =	swait.ge [sflag:s12], $0x3800  }
0x49: {  	[sflag:s12] =	ssyncset.done $0x0  }
0x4a: {  	s30 =	sadd.s32 $0xE0, s24;
	[sflag:s12] =	ssyncadd.s32 $0xFFFFC800  }
0x4b: {  	[tilespmem:s15], [sflag:$0x1] =	stream.indirect.gather [hbm4b:s1+s14], $0x80, s30, s14, $0xb8;
	[tilespmem:$0x1FF00] =	vst v63  }
0x4c: {  	_ =	swait.ge [sflag:s18], $0x3800  }
0x4d: {  	[sflag:s18] =	ssyncset.done $0x0  }
0x4e: {  	s31 =	sadd.s32 $0x27F0, s24;
	[sflag:s18] =	ssyncadd.s32 $0xFFFFC800  }
0x4f: {  	[spmem:s2] =	stream.indirect.scatter.add.f32 [tilespmem:s16], [sflag:$0x3], $0x80, s31, s14, $0xb8;
	[tilespmem:$0x1FF00] =	vst v63  }
0x50: {  	_ =	swait.ge [sflag:s12], $0x3800  }
0x51: {  	[sflag:s12] =	ssyncset.done $0x0  }
0x52: {  	[sflag:s12] =	ssyncadd.s32 $0xFFFFC800  }
0x53: {  	[tilespmem:s16], [sflag:$0x2] =	stream.indirect.gather [hbm4b:s1+s19], $0x80, s20, s19, $0xb8;
	[tilespmem:$0x1FF00] =	vst v63  }
0x54: {  	_ =	swait.ge [sflag:s17], $0x3800  }
0x55: {  	[sflag:s17] =	ssyncset.done $0x0  }
0x56: {  	[sflag:s17] =	ssyncadd.s32 $0xFFFFC800  }
0x57: {  	[spmem:s2] =	stream.indirect.scatter.add.f32 [tilespmem:s15], [sflag:$0x3], $0x80, s21, s14, $0xb8;
	[tilespmem:$0x1FF00] =	vst v63  }
0x58: {  	_ =	swait.ge [sflag:s12], $0x3800  }
0x59: {  	[sflag:s12] =	ssyncset.done $0x0  }
0x5a: {  	[sflag:s12] =	ssyncadd.s32 $0xFFFFC800  }
0x5b: {  	_ =	swait.ge [sflag:s18], $0x1000  }
0x5c: {  	[sflag:s18] =	ssyncset.done $0x0  }
0x5d: {  	[sflag:s18] =	ssyncadd.s32 $0xFFFFF000  }
0x5e: {  	[spmem:s2] =	stream.indirect.scatter.add.f32 [tilespmem:s16], [sflag:$0x3], $0x80, s22, s19, $0xb8;
	[tilespmem:$0x1FF00] =	vst v63  }
0x5f: {  	_ =	swait.ge [sflag:s12], $0x1000  }
0x60: {  	s23 =	sadd.s32 $0x1, s23;
	[sflag:s12] =	ssyncset.done $0x0  }
0x61: {  	p0 =	sne.s32 s23, s10;
	[sflag:s12] =	ssyncadd.s32 $0xFFFFF000  }
.Ltmp1:
0x62: {  	[bflag:$0x0] =	sbarrier.arrive $0xFFFF;
	(pc) =	sbr.rel @p0 .LBB2_1-.Ltmp1, $4  }
0x63: {  	[hbm:s9], [sflag:s7] =	dma.local [spmem:s11], $0x2800  }
0x64: {  	_ =	swait.ge [sflag:s12], $0x2800  }
0x65: {  	[sflag:s12] =	ssyncset.done $0x0  }
0x66: {  	[sflag:s12] =	ssyncadd.s32 $0xFFFFD800  }
0x67: {  	_ =	sfence.sel $0x180000  }
0x68: {  	[bflag:$0x0] =	sbarrier.arrive $0xFFFF  }
0x69: {  	p0 =	sne.s32 s3, $0x0;
	_ =	strace $0x90000047  }
0x6a: {  	s0 =	sadd.s32 @!p0 $0x100000, s0;
	[bflag:$0x2] =	sbarrier.arrive $0xFFFF  }
0x6b: {  	[sflag:s0] =	ssyncadd.tile.s32 @!p0 $0x1;
	_ =	shalt  }
.Lfunc_end2:
_tile_overlayer_lowered:
.L_overlay_start_2:
0x6c: {  	(tag) =	ssettag $0x2  }
0x6d: {  	s0 =	rddreg [dreg:$0x0];
	s2 =	stileid.u32  }
0x6e: {  	s1 =	rddreg [dreg:$0x1];
	p0 =	sne.s32 s2, $0x0  }
0x6f: {  	s3 =	rddreg [dreg:$0x2];
	[bflag:$0x3] =	sbarrier.arrive $0xFFFF;
	s2 =	simm.s32 @!p0 $0x1C03  }
0x70: {  	[timem:s3], [sflag:s2] =	dma.local @!p0 [hbm:s0], s1  }
0x71: {  	s0 =	simm.s32 @!p0 $0x3  }
0x72: {  	_ =	swait.ge @!p0 [sflag:s0], s1  }
0x73: {  	s1 =	ssub.s32 @!p0 $0x0, s1;
	[sflag:s0] =	ssyncset.done @!p0 $0x0  }
0x74: {  	[sflag:s0] =	ssyncadd.s32 @!p0 s1  }
0x75: {  	[bflag:$0x3] =	sbarrier.arrive $0xFFFF  }
0x76: {  	_ =	shalt  }

</sc_bundles>
